<compile_context>
chip_gen: v7x
topology: tpu7x:2x2x1
jax: 0.10.2.dev20260603
libtpu: 0.0.44.dev20260713+nightly
codegen_flags: <defaults>
</compile_context>

<pallas_src>
import functools

import jax
import jax.numpy as jnp
from jax import lax
from jax.experimental import pallas as pl
from jax.experimental.pallas import tpu as pltpu
from jax.experimental.pallas import tpu_sc as plsc

BATCH = 16384
NUM_FIELDS = 26
EMBED_DIM = 16
TOTAL = BATCH * NUM_FIELDS

_info = plsc.get_sparse_core_info()
_NC, _NS = _info.num_cores, _info.num_subcores
_NW = _NC * _NS
_BATCH_PER_W = BATCH // _NW
_CB = 16
_CHUNK = _CB * NUM_FIELDS
_NSTEP = _BATCH_PER_W // _CB

_mesh = plsc.VectorSubcoreMesh(core_axis_name="c", subcore_axis_name="s")


@functools.partial(
    pl.kernel,
    mesh=_mesh,
    out_type=jax.ShapeDtypeStruct((BATCH, 32, 128), jnp.float32),
    scratch_types=[
        pltpu.VMEM((_CHUNK,), jnp.int32),
        pltpu.VMEM((_CHUNK,), jnp.int32),
        pltpu.VMEM((_CHUNK, EMBED_DIM), jnp.float32),
        pltpu.VMEM((_CHUNK, EMBED_DIM), jnp.float32),
        pltpu.SemaphoreType.DMA,
        pltpu.SemaphoreType.DMA,
        pltpu.SemaphoreType.DMA,
    ],
    compiler_params=pltpu.CompilerParams(use_tc_tiling_on_sc=False),
)
def _gather_rows(table_hbm, idx_hbm, out_hbm, idx_a, idx_b, rows_a, rows_b,
                 gsem_a, gsem_b, osem):
    wid = lax.axis_index("s") * _NC + lax.axis_index("c")

    def stores(rows_v, b0):
        return [
            pltpu.async_copy(
                rows_v.at[pl.ds(cb * NUM_FIELDS, NUM_FIELDS), :],
                out_hbm.at[b0 + cb, pl.ds(0, NUM_FIELDS),
                           pl.ds(0, EMBED_DIM)],
                osem)
            for cb in range(_CB)
        ]

    def step(k, carry):
        b0a = wid * _BATCH_PER_W + (2 * k) * _CB
        b0b = b0a + _CB
        pltpu.sync_copy(idx_hbm.at[pl.ds(b0a * NUM_FIELDS, _CHUNK)], idx_a)
        ga = pltpu.async_copy(table_hbm.at[idx_a], rows_a, gsem_a)
        pltpu.sync_copy(idx_hbm.at[pl.ds(b0b * NUM_FIELDS, _CHUNK)], idx_b)
        gb = pltpu.async_copy(table_hbm.at[idx_b], rows_b, gsem_b)
        ga.wait()
        cps_a = stores(rows_a, b0a)
        gb.wait()
        cps_b = stores(rows_b, b0b)
        for cp in cps_a + cps_b:
            cp.wait()
        return carry

    lax.fori_loop(0, _NSTEP // 2, step, 0)


def kernel(table, x):
    flat = x.reshape(TOTAL)
    out_pad = _gather_rows(table, flat)
    return out_pad[:, :NUM_FIELDS, :EMBED_DIM]

# --- scband reference (transcript-rebuilt; emitter-appended) ---
"""Pipeline reference for scband-features-embedding-41145786696207 (READ-ONLY COPY).

The authoritative reference and input builder live on the scoring server;
editing this copy changes nothing except your own understanding.
"""

import jax, jax.numpy as jnp
import numpy as np

NUM_EMBEDDINGS = 2600000  # sum(field_dims) = 26 * 100000
EMBED_DIM = 16
BATCH = 16384
NUM_FIELDS = 26


def setup_inputs(seed: int = 0) -> dict:
    key = jax.random.key(seed)
    k_idx, k_tab = jax.random.split(key)
    x = jax.random.randint(k_idx, (BATCH, NUM_FIELDS), 0, NUM_EMBEDDINGS, dtype=jnp.int64 if jax.config.jax_enable_x64 else jnp.int32).astype(jnp.int32)
    # xavier_uniform init on rows 1: (as in the torch module); padding_idx=0 row is zero
    bound = float(np.sqrt(6.0 / (NUM_EMBEDDINGS - 1 + EMBED_DIM)))
    table = jax.random.uniform(k_tab, (NUM_EMBEDDINGS, EMBED_DIM), minval=-bound, maxval=bound, dtype=jnp.float32)
    table = table.at[0].set(0.0)  # padding_idx=0 -> zero row
    return {"table": table, "x": x}


def reference(table, x):
    # FeaturesEmbedding.forward: plain embedding lookup (offsets computed in __init__ but unused in forward)
    return jnp.take(table, x, axis=0)

if __name__ == "__main__":
    import jax
    _d = setup_inputs()
    print(jax.jit(kernel)(*tuple(_d.values())))

</pallas_src>

<mosaic_0001>
#map = affine_map<(d0, d1) -> (0, 0)>
#map1 = affine_map<(d0, d1) -> (0)>
#map2 = affine_map<(d0, d1) -> (0, 0, 0)>
module attributes {stable_mosaic.version = 14 : i64} {
  func.func @_gather_rows(%arg0: i32, %arg1: i32, %arg2: memref<2600000x16xf32, #tpu.memory_space<hbm>>, %arg3: memref<425984xi32, #tpu.memory_space<hbm>>, %arg4: memref<16384x32x128xf32, #tpu.memory_space<hbm>>, %arg5: memref<416xi32, #tpu.memory_space<vmem>>, %arg6: memref<416xi32, #tpu.memory_space<vmem>>, %arg7: memref<416x16xf32, #tpu.memory_space<vmem>>, %arg8: memref<416x16xf32, #tpu.memory_space<vmem>>, %arg9: memref<!tpu.dma_semaphore, #tpu.memory_space<semaphore_mem>>, %arg10: memref<!tpu.dma_semaphore, #tpu.memory_space<semaphore_mem>>, %arg11: memref<!tpu.dma_semaphore, #tpu.memory_space<semaphore_mem>>) attributes {dimension_semantics = [#tpu.dimension_semantics<core_parallel>, #tpu.dimension_semantics<subcore_parallel>], iteration_bounds = array<i64: 2, 16>, scalar_prefetch = 0 : i64, scratch_operands = 7 : i64, tpu.core_type = #tpu.core_type<sc_vector_subcore>, window_params = [{transform_indices = #map}, {transform_indices = #map1}, {transform_indices = #map2}]} {
    %mul3A = arith.constant 2 : i32
    %mul3A_0 = arith.muli %arg1, %mul3A : i32
    %add3A = arith.addi %mul3A_0, %arg0 : i32
    %scan3A = arith.constant 0 : i32
    %scan3A_1 = arith.constant 0 : i32
    %scan3A_2 = arith.constant 16 : i32
    %scan3A_3 = arith.addi %scan3A_1, %scan3A_2 : i32
    %scan3A_4 = arith.constant 1 : i32
    scf.for %scan3A_6 = %scan3A_1 to %scan3A_3 step %scan3A_4  : i32 {
      %mul3A_7 = arith.constant 512 : i32
      %mul3A_8 = arith.muli %add3A, %mul3A_7 : i32
      %mul3A_9 = arith.constant 2 : i32
      %mul3A_10 = arith.muli %mul3A_9, %scan3A_6 : i32
      %mul3A_11 = arith.constant 16 : i32
      %mul3A_12 = arith.muli %mul3A_10, %mul3A_11 : i32
      %add3A_13 = arith.addi %mul3A_8, %mul3A_12 : i32
      %add3A_14 = arith.constant 16 : i32
      %add3A_15 = arith.addi %add3A_13, %add3A_14 : i32
      %mul3A_16 = arith.constant 26 : i32
      %mul3A_17 = arith.muli %add3A_13, %mul3A_16 : i32
      "tpu.region"() ({
        %run_scoped3A = tpu.sem_alloc : memref<!tpu.dma_semaphore, #tpu.memory_space<semaphore_mem>>
        %dma_start3A_990 = tpu.memref_slice %arg3[%mul3A_17] : memref<425984xi32, #tpu.memory_space<hbm>> -> memref<416xi32, #tpu.memory_space<hbm>>
        %dma_start3A_991 = tpu.memref_slice %arg3[%mul3A_17] : memref<425984xi32, #tpu.memory_space<hbm>> -> memref<416xi32, #tpu.memory_space<hbm>>
        tpu.enqueue_dma source(%dma_start3A_991 : memref<416xi32, #tpu.memory_space<hbm>>) target(%arg5 : memref<416xi32, #tpu.memory_space<vmem>>) target_semaphore(%run_scoped3A : memref<!tpu.dma_semaphore, #tpu.memory_space<semaphore_mem>>)
        %dma_wait3A_992 = tpu.memref_slice %arg3[%mul3A_17] : memref<425984xi32, #tpu.memory_space<hbm>> -> memref<416xi32, #tpu.memory_space<hbm>>
        %dma_wait3A_993 = tpu.memref_slice %arg3[%mul3A_17] : memref<425984xi32, #tpu.memory_space<hbm>> -> memref<416xi32, #tpu.memory_space<hbm>>
        tpu.wait_dma2 semaphore(%run_scoped3A : memref<!tpu.dma_semaphore, #tpu.memory_space<semaphore_mem>>) src(%dma_wait3A_993 : memref<416xi32, #tpu.memory_space<hbm>>) dst(%arg5 : memref<416xi32, #tpu.memory_space<vmem>>)
        tpu.yield
      }) : () -> ()
      %dma_start3A = arith.constant 0 : i32
      %dma_start3A_18 = arith.constant 0 : i32
      %dma_start3A_19 = tpu.memref_slice %arg2[%dma_start3A, %dma_start3A_18] : memref<2600000x16xf32, #tpu.memory_space<hbm>> -> memref<2600000x16xf32, #tpu.memory_space<hbm>>
      tpu.enqueue_indirect_dma source(%dma_start3A_19 : memref<2600000x16xf32, #tpu.memory_space<hbm>>) target(%arg7 : memref<416x16xf32, #tpu.memory_space<vmem>>) offsets(%arg5 : memref<416xi32, #tpu.memory_space<vmem>>) semaphore(%arg9 : memref<!tpu.dma_semaphore, #tpu.memory_space<semaphore_mem>>)
      %mul3A_20 = arith.constant 26 : i32
      %mul3A_21 = arith.muli %add3A_15, %mul3A_20 : i32
      "tpu.region"() ({
        %run_scoped3A = tpu.sem_alloc : memref<!tpu.dma_semaphore, #tpu.memory_space<semaphore_mem>>
        %dma_start3A_990 = tpu.memref_slice %arg3[%mul3A_21] : memref<425984xi32, #tpu.memory_space<hbm>> -> memref<416xi32, #tpu.memory_space<hbm>>
        %dma_start3A_991 = tpu.memref_slice %arg3[%mul3A_21] : memref<425984xi32, #tpu.memory_space<hbm>> -> memref<416xi32, #tpu.memory_space<hbm>>
        tpu.enqueue_dma source(%dma_start3A_991 : memref<416xi32, #tpu.memory_space<hbm>>) target(%arg6 : memref<416xi32, #tpu.memory_space<vmem>>) target_semaphore(%run_scoped3A : memref<!tpu.dma_semaphore, #tpu.memory_space<semaphore_mem>>)
        %dma_wait3A_992 = tpu.memref_slice %arg3[%mul3A_21] : memref<425984xi32, #tpu.memory_space<hbm>> -> memref<416xi32, #tpu.memory_space<hbm>>
        %dma_wait3A_993 = tpu.memref_slice %arg3[%mul3A_21] : memref<425984xi32, #tpu.memory_space<hbm>> -> memref<416xi32, #tpu.memory_space<hbm>>
        tpu.wait_dma2 semaphore(%run_scoped3A : memref<!tpu.dma_semaphore, #tpu.memory_space<semaphore_mem>>) src(%dma_wait3A_993 : memref<416xi32, #tpu.memory_space<hbm>>) dst(%arg6 : memref<416xi32, #tpu.memory_space<vmem>>)
        tpu.yield
      }) : () -> ()
      %dma_start3A_22 = arith.constant 0 : i32
      %dma_start3A_23 = arith.constant 0 : i32
      %dma_start3A_24 = tpu.memref_slice %arg2[%dma_start3A_22, %dma_start3A_23] : memref<2600000x16xf32, #tpu.memory_space<hbm>> -> memref<2600000x16xf32, #tpu.memory_space<hbm>>
      tpu.enqueue_indirect_dma source(%dma_start3A_24 : memref<2600000x16xf32, #tpu.memory_space<hbm>>) target(%arg8 : memref<416x16xf32, #tpu.memory_space<vmem>>) offsets(%arg6 : memref<416xi32, #tpu.memory_space<vmem>>) semaphore(%arg10 : memref<!tpu.dma_semaphore, #tpu.memory_space<semaphore_mem>>)
      %dma_wait3A = arith.constant 0 : i32
      %dma_wait3A_25 = arith.constant 0 : i32
      %dma_wait3A_26 = tpu.memref_slice %arg2[%dma_wait3A, %dma_wait3A_25] : memref<2600000x16xf32, #tpu.memory_space<hbm>> -> memref<2600000x16xf32, #tpu.memory_space<hbm>>
      tpu.wait_indirect_dma semaphore(%arg9 : memref<!tpu.dma_semaphore, #tpu.memory_space<semaphore_mem>>) src(%dma_wait3A_26 : memref<2600000x16xf32, #tpu.memory_space<hbm>>) dst(%arg7 : memref<416x16xf32, #tpu.memory_space<vmem>>)
      %add3A_27 = arith.constant 0 : i32
      %add3A_28 = arith.addi %add3A_13, %add3A_27 : i32
      %dma_start3A_29 = arith.constant 0 : i32
      %dma_start3A_30 = arith.constant 0 : i32
      %dma_start3A_31 = tpu.memref_slice %arg7[%dma_start3A_29, %dma_start3A_30] : memref<416x16xf32, #tpu.memory_space<vmem>> -> memref<26x16xf32, #tpu.memory_space<vmem>>
      %dma_start3A_32 = arith.constant 0 : i32
      %dma_start3A_33 = arith.constant 0 : i32
      %dma_start3A_34 = tpu.memref_slice %arg4[%add3A_28, %dma_start3A_32, %dma_start3A_33] : memref<16384x32x128xf32, #tpu.memory_space<hbm>> -> memref<1x26x16xf32, #tpu.memory_space<hbm>>
      %dma_start3A_35 = tpu.memref_squeeze %dma_start3A_34 : memref<1x26x16xf32, #tpu.memory_space<hbm>> -> memref<26x16xf32, #tpu.memory_space<hbm>>
      %dma_start3A_36 = arith.constant 0 : i32
      %dma_start3A_37 = arith.constant 0 : i32
      %dma_start3A_38 = tpu.memref_slice %arg4[%add3A_28, %dma_start3A_36, %dma_start3A_37] : memref<16384x32x128xf32, #tpu.memory_space<hbm>> -> memref<1x26x16xf32, #tpu.memory_space<hbm>>
      %dma_start3A_39 = tpu.memref_squeeze %dma_start3A_38 : memref<1x26x16xf32, #tpu.memory_space<hbm>> -> memref<26x16xf32, #tpu.memory_space<hbm>>
      %dma_start3A_40 = arith.constant 0 : i32
      %dma_start3A_41 = arith.constant 0 : i32
      %dma_start3A_42 = tpu.memref_slice %arg7[%dma_start3A_40, %dma_start3A_41] : memref<416x16xf32, #tpu.memory_space<vmem>> -> memref<26x16xf32, #tpu.memory_space<vmem>>
      tpu.enqueue_dma source(%dma_start3A_42 : memref<26x16xf32, #tpu.memory_space<vmem>>) target(%dma_start3A_39 : memref<26x16xf32, #tpu.memory_space<hbm>>) target_semaphore(%arg11 : memref<!tpu.dma_semaphore, #tpu.memory_space<semaphore_mem>>)
      %add3A_43 = arith.constant 1 : i32
      %add3A_44 = arith.addi %add3A_13, %add3A_43 : i32
      %dma_start3A_45 = arith.constant 26 : i32
      %dma_start3A_46 = arith.constant 0 : i32
      %dma_start3A_47 = tpu.memref_slice %arg7[%dma_start3A_45, %dma_start3A_46] : memref<416x16xf32, #tpu.memory_space<vmem>> -> memref<26x16xf32, #tpu.memory_space<vmem>>
      %dma_start3A_48 = arith.constant 0 : i32
      %dma_start3A_49 = arith.constant 0 : i32
      %dma_start3A_50 = tpu.memref_slice %arg4[%add3A_44, %dma_start3A_48, %dma_start3A_49] : memref<16384x32x128xf32, #tpu.memory_space<hbm>> -> memref<1x26x16xf32, #tpu.memory_space<hbm>>
      %dma_start3A_51 = tpu.memref_squeeze %dma_start3A_50 : memref<1x26x16xf32, #tpu.memory_space<hbm>> -> memref<26x16xf32, #tpu.memory_space<hbm>>
      %dma_start3A_52 = arith.constant 0 : i32
      %dma_start3A_53 = arith.constant 0 : i32
      %dma_start3A_54 = tpu.memref_slice %arg4[%add3A_44, %dma_start3A_52, %dma_start3A_53] : memref<16384x32x128xf32, #tpu.memory_space<hbm>> -> memref<1x26x16xf32, #tpu.memory_space<hbm>>
      %dma_start3A_55 = tpu.memref_squeeze %dma_start3A_54 : memref<1x26x16xf32, #tpu.memory_space<hbm>> -> memref<26x16xf32, #tpu.memory_space<hbm>>
      %dma_start3A_56 = arith.constant 26 : i32
      %dma_start3A_57 = arith.constant 0 : i32
      %dma_start3A_58 = tpu.memref_slice %arg7[%dma_start3A_56, %dma_start3A_57] : memref<416x16xf32, #tpu.memory_space<vmem>> -> memref<26x16xf32, #tpu.memory_space<vmem>>
      tpu.enqueue_dma source(%dma_start3A_58 : memref<26x16xf32, #tpu.memory_space<vmem>>) target(%dma_start3A_55 : memref<26x16xf32, #tpu.memory_space<hbm>>) target_semaphore(%arg11 : memref<!tpu.dma_semaphore, #tpu.memory_space<semaphore_mem>>)
      %add3A_59 = arith.constant 2 : i32
      %add3A_60 = arith.addi %add3A_13, %add3A_59 : i32
      %dma_start3A_61 = arith.constant 52 : i32
      %dma_start3A_62 = arith.constant 0 : i32
      %dma_start3A_63 = tpu.memref_slice %arg7[%dma_start3A_61, %dma_start3A_62] : memref<416x16xf32, #tpu.memory_space<vmem>> -> memref<26x16xf32, #tpu.memory_space<vmem>>
      %dma_start3A_64 = arith.constant 0 : i32
      %dma_start3A_65 = arith.constant 0 : i32
      %dma_start3A_66 = tpu.memref_slice %arg4[%add3A_60, %dma_start3A_64, %dma_start3A_65] : memref<16384x32x128xf32, #tpu.memory_space<hbm>> -> memref<1x26x16xf32, #tpu.memory_space<hbm>>
      %dma_start3A_67 = tpu.memref_squeeze %dma_start3A_66 : memref<1x26x16xf32, #tpu.memory_space<hbm>> -> memref<26x16xf32, #tpu.memory_space<hbm>>
      %dma_start3A_68 = arith.constant 0 : i32
      %dma_start3A_69 = arith.constant 0 : i32
      %dma_start3A_70 = tpu.memref_slice %arg4[%add3A_60, %dma_start3A_68, %dma_start3A_69] : memref<16384x32x128xf32, #tpu.memory_space<hbm>> -> memref<1x26x16xf32, #tpu.memory_space<hbm>>
      %dma_start3A_71 = tpu.memref_squeeze %dma_start3A_70 : memref<1x26x16xf32, #tpu.memory_space<hbm>> -> memref<26x16xf32, #tpu.memory_space<hbm>>
      %dma_start3A_72 = arith.constant 52 : i32
      %dma_start3A_73 = arith.constant 0 : i32
      %dma_start3A_74 = tpu.memref_slice %arg7[%dma_start3A_72, %dma_start3A_73] : memref<416x16xf32, #tpu.memory_space<vmem>> -> memref<26x16xf32, #tpu.memory_space<vmem>>
      tpu.enqueue_dma source(%dma_start3A_74 : memref<26x16xf32, #tpu.memory_space<vmem>>) target(%dma_start3A_71 : memref<26x16xf32, #tpu.memory_space<hbm>>) target_semaphore(%arg11 : memref<!tpu.dma_semaphore, #tpu.memory_space<semaphore_mem>>)
      %add3A_75 = arith.constant 3 : i32
      %add3A_76 = arith.addi %add3A_13, %add3A_75 : i32
      %dma_start3A_77 = arith.constant 78 : i32
      %dma_start3A_78 = arith.constant 0 : i32
      %dma_start3A_79 = tpu.memref_slice %arg7[%dma_start3A_77, %dma_start3A_78] : memref<416x16xf32, #tpu.memory_space<vmem>> -> memref<26x16xf32, #tpu.memory_space<vmem>>
      %dma_start3A_80 = arith.constant 0 : i32
      %dma_start3A_81 = arith.constant 0 : i32
      %dma_start3A_82 = tpu.memref_slice %arg4[%add3A_76, %dma_start3A_80, %dma_start3A_81] : memref<16384x32x128xf32, #tpu.memory_space<hbm>> -> memref<1x26x16xf32, #tpu.memory_space<hbm>>
      %dma_start3A_83 = tpu.memref_squeeze %dma_start3A_82 : memref<1x26x16xf32, #tpu.memory_space<hbm>> -> memref<26x16xf32, #tpu.memory_space<hbm>>
      %dma_start3A_84 = arith.constant 0 : i32
      %dma_start3A_85 = arith.constant 0 : i32
      %dma_start3A_86 = tpu.memref_slice %arg4[%add3A_76, %dma_start3A_84, %dma_start3A_85] : memref<16384x32x128xf32, #tpu.memory_space<hbm>> -> memref<1x26x16xf32, #tpu.memory_space<hbm>>
      %dma_start3A_87 = tpu.memref_squeeze %dma_start3A_86 : memref<1x26x16xf32, #tpu.memory_space<hbm>> -> memref<26x16xf32, #tpu.memory_space<hbm>>
      %dma_start3A_88 = arith.constant 78 : i32
      %dma_start3A_89 = arith.constant 0 : i32
      %dma_start3A_90 = tpu.memref_slice %arg7[%dma_start3A_88, %dma_start3A_89] : memref<416x16xf32, #tpu.memory_space<vmem>> -> memref<26x16xf32, #tpu.memory_space<vmem>>
      tpu.enqueue_dma source(%dma_start3A_90 : memref<26x16xf32, #tpu.memory_space<vmem>>) target(%dma_start3A_87 : memref<26x16xf32, #tpu.memory_space<hbm>>) target_semaphore(%arg11 : memref<!tpu.dma_semaphore, #tpu.memory_space<semaphore_mem>>)
      %add3A_91 = arith.constant 4 : i32
      %add3A_92 = arith.addi %add3A_13, %add3A_91 : i32
      %dma_start3A_93 = arith.constant 104 : i32
      %dma_start3A_94 = arith.constant 0 : i32
      %dma_start3A_95 = tpu.memref_slice %arg7[%dma_start3A_93, %dma_start3A_94] : memref<416x16xf32, #tpu.memory_space<vmem>> -> memref<26x16xf32, #tpu.memory_space<vmem>>
      %dma_start3A_96 = arith.constant 0 : i32
      %dma_start3A_97 = arith.constant 0 : i32
      %dma_start3A_98 = tpu.memref_slice %arg4[%add3A_92, %dma_start3A_96, %dma_start3A_97] : memref<16384x32x128xf32, #tpu.memory_space<hbm>> -> memref<1x26x16xf32, #tpu.memory_space<hbm>>
      %dma_start3A_99 = tpu.memref_squeeze %dma_start3A_98 : memref<1x26x16xf32, #tpu.memory_space<hbm>> -> memref<26x16xf32, #tpu.memory_space<hbm>>
      %dma_start3A_100 = arith.constant 0 : i32
      %dma_start3A_101 = arith.constant 0 : i32
      %dma_start3A_102 = tpu.memref_slice %arg4[%add3A_92, %dma_start3A_100, %dma_start3A_101] : memref<16384x32x128xf32, #tpu.memory_space<hbm>> -> memref<1x26x16xf32, #tpu.memory_space<hbm>>
      %dma_start3A_103 = tpu.memref_squeeze %dma_start3A_102 : memref<1x26x16xf32, #tpu.memory_space<hbm>> -> memref<26x16xf32, #tpu.memory_space<hbm>>
      %dma_start3A_104 = arith.constant 104 : i32
      %dma_start3A_105 = arith.constant 0 : i32
      %dma_start3A_106 = tpu.memref_slice %arg7[%dma_start3A_104, %dma_start3A_105] : memref<416x16xf32, #tpu.memory_space<vmem>> -> memref<26x16xf32, #tpu.memory_space<vmem>>
      tpu.enqueue_dma source(%dma_start3A_106 : memref<26x16xf32, #tpu.memory_space<vmem>>) target(%dma_start3A_103 : memref<26x16xf32, #tpu.memory_space<hbm>>) target_semaphore(%arg11 : memref<!tpu.dma_semaphore, #tpu.memory_space<semaphore_mem>>)
      %add3A_107 = arith.constant 5 : i32
      %add3A_108 = arith.addi %add3A_13, %add3A_107 : i32
      %dma_start3A_109 = arith.constant 130 : i32
      %dma_start3A_110 = arith.constant 0 : i32
      %dma_start3A_111 = tpu.memref_slice %arg7[%dma_start3A_109, %dma_start3A_110] : memref<416x16xf32, #tpu.memory_space<vmem>> -> memref<26x16xf32, #tpu.memory_space<vmem>>
      %dma_start3A_112 = arith.constant 0 : i32
      %dma_start3A_113 = arith.constant 0 : i32
      %dma_start3A_114 = tpu.memref_slice %arg4[%add3A_108, %dma_start3A_112, %dma_start3A_113] : memref<16384x32x128xf32, #tpu.memory_space<hbm>> -> memref<1x26x16xf32, #tpu.memory_space<hbm>>
      %dma_start3A_115 = tpu.memref_squeeze %dma_start3A_114 : memref<1x26x16xf32, #tpu.memory_space<hbm>> -> memref<26x16xf32, #tpu.memory_space<hbm>>
      %dma_start3A_116 = arith.constant 0 : i32
      %dma_start3A_117 = arith.constant 0 : i32
      %dma_start3A_118 = tpu.memref_slice %arg4[%add3A_108, %dma_start3A_116, %dma_start3A_117] : memref<16384x32x128xf32, #tpu.memory_space<hbm>> -> memref<1x26x16xf32, #tpu.memory_space<hbm>>
      %dma_start3A_119 = tpu.memref_squeeze %dma_start3A_118 : memref<1x26x16xf32, #tpu.memory_space<hbm>> -> memref<26x16xf32, #tpu.memory_space<hbm>>
      %dma_start3A_120 = arith.constant 130 : i32
      %dma_start3A_121 = arith.constant 0 : i32
      %dma_start3A_122 = tpu.memref_slice %arg7[%dma_start3A_120, %dma_start3A_121] : memref<416x16xf32, #tpu.memory_space<vmem>> -> memref<26x16xf32, #tpu.memory_space<vmem>>
      tpu.enqueue_dma source(%dma_start3A_122 : memref<26x16xf32, #tpu.memory_space<vmem>>) target(%dma_start3A_119 : memref<26x16xf32, #tpu.memory_space<hbm>>) target_semaphore(%arg11 : memref<!tpu.dma_semaphore, #tpu.memory_space<semaphore_mem>>)
      %add3A_123 = arith.constant 6 : i32
      %add3A_124 = arith.addi %add3A_13, %add3A_123 : i32
      %dma_start3A_125 = arith.constant 156 : i32
      %dma_start3A_126 = arith.constant 0 : i32
      %dma_start3A_127 = tpu.memref_slice %arg7[%dma_start3A_125, %dma_start3A_126] : memref<416x16xf32, #tpu.memory_space<vmem>> -> memref<26x16xf32, #tpu.memory_space<vmem>>
      %dma_start3A_128 = arith.constant 0 : i32
      %dma_start3A_129 = arith.constant 0 : i32
      %dma_start3A_130 = tpu.memref_slice %arg4[%add3A_124, %dma_start3A_128, %dma_start3A_129] : memref<16384x32x128xf32, #tpu.memory_space<hbm>> -> memref<1x26x16xf32, #tpu.memory_space<hbm>>
      %dma_start3A_131 = tpu.memref_squeeze %dma_start3A_130 : memref<1x26x16xf32, #tpu.memory_space<hbm>> -> memref<26x16xf32, #tpu.memory_space<hbm>>
      %dma_start3A_132 = arith.constant 0 : i32
      %dma_start3A_133 = arith.constant 0 : i32
      %dma_start3A_134 = tpu.memref_slice %arg4[%add3A_124, %dma_start3A_132, %dma_start3A_133] : memref<16384x32x128xf32, #tpu.memory_space<hbm>> -> memref<1x26x16xf32, #tpu.memory_space<hbm>>
      %dma_start3A_135 = tpu.memref_squeeze %dma_start3A_134 : memref<1x26x16xf32, #tpu.memory_space<hbm>> -> memref<26x16xf32, #tpu.memory_space<hbm>>
      %dma_start3A_136 = arith.constant 156 : i32
      %dma_start3A_137 = arith.constant 0 : i32
      %dma_start3A_138 = tpu.memref_slice %arg7[%dma_start3A_136, %dma_start3A_137] : memref<416x16xf32, #tpu.memory_space<vmem>> -> memref<26x16xf32, #tpu.memory_space<vmem>>
      tpu.enqueue_dma source(%dma_start3A_138 : memref<26x16xf32, #tpu.memory_space<vmem>>) target(%dma_start3A_135 : memref<26x16xf32, #tpu.memory_space<hbm>>) target_semaphore(%arg11 : memref<!tpu.dma_semaphore, #tpu.memory_space<semaphore_mem>>)
      %add3A_139 = arith.constant 7 : i32
      %add3A_140 = arith.addi %add3A_13, %add3A_139 : i32
      %dma_start3A_141 = arith.constant 182 : i32
      %dma_start3A_142 = arith.constant 0 : i32
      %dma_start3A_143 = tpu.memref_slice %arg7[%dma_start3A_141, %dma_start3A_142] : memref<416x16xf32, #tpu.memory_space<vmem>> -> memref<26x16xf32, #tpu.memory_space<vmem>>
      %dma_start3A_144 = arith.constant 0 : i32
      %dma_start3A_145 = arith.constant 0 : i32
      %dma_start3A_146 = tpu.memref_slice %arg4[%add3A_140, %dma_start3A_144, %dma_start3A_145] : memref<16384x32x128xf32, #tpu.memory_space<hbm>> -> memref<1x26x16xf32, #tpu.memory_space<hbm>>
      %dma_start3A_147 = tpu.memref_squeeze %dma_start3A_146 : memref<1x26x16xf32, #tpu.memory_space<hbm>> -> memref<26x16xf32, #tpu.memory_space<hbm>>
      %dma_start3A_148 = arith.constant 0 : i32
      %dma_start3A_149 = arith.constant 0 : i32
      %dma_start3A_150 = tpu.memref_slice %arg4[%add3A_140, %dma_start3A_148, %dma_start3A_149] : memref<16384x32x128xf32, #tpu.memory_space<hbm>> -> memref<1x26x16xf32, #tpu.memory_space<hbm>>
      %dma_start3A_151 = tpu.memref_squeeze %dma_start3A_150 : memref<1x26x16xf32, #tpu.memory_space<hbm>> -> memref<26x16xf32, #tpu.memory_space<hbm>>
      %dma_start3A_152 = arith.constant 182 : i32
      %dma_start3A_153 = arith.constant 0 : i32
      %dma_start3A_154 = tpu.memref_slice %arg7[%dma_start3A_152, %dma_start3A_153] : memref<416x16xf32, #tpu.memory_space<vmem>> -> memref<26x16xf32, #tpu.memory_space<vmem>>
      tpu.enqueue_dma source(%dma_start3A_154 : memref<26x16xf32, #tpu.memory_space<vmem>>) target(%dma_start3A_151 : memref<26x16xf32, #tpu.memory_space<hbm>>) target_semaphore(%arg11 : memref<!tpu.dma_semaphore, #tpu.memory_space<semaphore_mem>>)
      %add3A_155 = arith.constant 8 : i32
      %add3A_156 = arith.addi %add3A_13, %add3A_155 : i32
      %dma_start3A_157 = arith.constant 208 : i32
      %dma_start3A_158 = arith.constant 0 : i32
      %dma_start3A_159 = tpu.memref_slice %arg7[%dma_start3A_157, %dma_start3A_158] : memref<416x16xf32, #tpu.memory_space<vmem>> -> memref<26x16xf32, #tpu.memory_space<vmem>>
      %dma_start3A_160 = arith.constant 0 : i32
      %dma_start3A_161 = arith.constant 0 : i32
      %dma_start3A_162 = tpu.memref_slice %arg4[%add3A_156, %dma_start3A_160, %dma_start3A_161] : memref<16384x32x128xf32, #tpu.memory_space<hbm>> -> memref<1x26x16xf32, #tpu.memory_space<hbm>>
      %dma_start3A_163 = tpu.memref_squeeze %dma_start3A_162 : memref<1x26x16xf32, #tpu.memory_space<hbm>> -> memref<26x16xf32, #tpu.memory_space<hbm>>
      %dma_start3A_164 = arith.constant 0 : i32
      %dma_start3A_165 = arith.constant 0 : i32
      %dma_start3A_166 = tpu.memref_slice %arg4[%add3A_156, %dma_start3A_164, %dma_start3A_165] : memref<16384x32x128xf32, #tpu.memory_space<hbm>> -> memref<1x26x16xf32, #tpu.memory_space<hbm>>
      %dma_start3A_167 = tpu.memref_squeeze %dma_start3A_166 : memref<1x26x16xf32, #tpu.memory_space<hbm>> -> memref<26x16xf32, #tpu.memory_space<hbm>>
      %dma_start3A_168 = arith.constant 208 : i32
      %dma_start3A_169 = arith.constant 0 : i32
      %dma_start3A_170 = tpu.memref_slice %arg7[%dma_start3A_168, %dma_start3A_169] : memref<416x16xf32, #tpu.memory_space<vmem>> -> memref<26x16xf32, #tpu.memory_space<vmem>>
      tpu.enqueue_dma source(%dma_start3A_170 : memref<26x16xf32, #tpu.memory_space<vmem>>) target(%dma_start3A_167 : memref<26x16xf32, #tpu.memory_space<hbm>>) target_semaphore(%arg11 : memref<!tpu.dma_semaphore, #tpu.memory_space<semaphore_mem>>)
      %add3A_171 = arith.constant 9 : i32
      %add3A_172 = arith.addi %add3A_13, %add3A_171 : i32
      %dma_start3A_173 = arith.constant 234 : i32
      %dma_start3A_174 = arith.constant 0 : i32
      %dma_start3A_175 = tpu.memref_slice %arg7[%dma_start3A_173, %dma_start3A_174] : memref<416x16xf32, #tpu.memory_space<vmem>> -> memref<26x16xf32, #tpu.memory_space<vmem>>
      %dma_start3A_176 = arith.constant 0 : i32
      %dma_start3A_177 = arith.constant 0 : i32
      %dma_start3A_178 = tpu.memref_slice %arg4[%add3A_172, %dma_start3A_176, %dma_start3A_177] : memref<16384x32x128xf32, #tpu.memory_space<hbm>> -> memref<1x26x16xf32, #tpu.memory_space<hbm>>
      %dma_start3A_179 = tpu.memref_squeeze %dma_start3A_178 : memref<1x26x16xf32, #tpu.memory_space<hbm>> -> memref<26x16xf32, #tpu.memory_space<hbm>>
      %dma_start3A_180 = arith.constant 0 : i32
      %dma_start3A_181 = arith.constant 0 : i32
      %dma_start3A_182 = tpu.memref_slice %arg4[%add3A_172, %dma_start3A_180, %dma_start3A_181] : memref<16384x32x128xf32, #tpu.memory_space<hbm>> -> memref<1x26x16xf32, #tpu.memory_space<hbm>>
      %dma_start3A_183 = tpu.memref_squeeze %dma_start3A_182 : memref<1x26x16xf32, #tpu.memory_space<hbm>> -> memref<26x16xf32, #tpu.memory_space<hbm>>
      %dma_start3A_184 = arith.constant 234 : i32
      %dma_start3A_185 = arith.constant 0 : i32
      %dma_start3A_186 = tpu.memref_slice %arg7[%dma_start3A_184, %dma_start3A_185] : memref<416x16xf32, #tpu.memory_space<vmem>> -> memref<26x16xf32, #tpu.memory_space<vmem>>
      tpu.enqueue_dma source(%dma_start3A_186 : memref<26x16xf32, #tpu.memory_space<vmem>>) target(%dma_start3A_183 : memref<26x16xf32, #tpu.memory_space<hbm>>) target_semaphore(%arg11 : memref<!tpu.dma_semaphore, #tpu.memory_space<semaphore_mem>>)
      %add3A_187 = arith.constant 10 : i32
      %add3A_188 = arith.addi %add3A_13, %add3A_187 : i32
      %dma_start3A_189 = arith.constant 260 : i32
      %dma_start3A_190 = arith.constant 0 : i32
      %dma_start3A_191 = tpu.memref_slice %arg7[%dma_start3A_189, %dma_start3A_190] : memref<416x16xf32, #tpu.memory_space<vmem>> -> memref<26x16xf32, #tpu.memory_space<vmem>>
      %dma_start3A_192 = arith.constant 0 : i32
      %dma_start3A_193 = arith.constant 0 : i32
      %dma_start3A_194 = tpu.memref_slice %arg4[%add3A_188, %dma_start3A_192, %dma_start3A_193] : memref<16384x32x128xf32, #tpu.memory_space<hbm>> -> memref<1x26x16xf32, #tpu.memory_space<hbm>>
      %dma_start3A_195 = tpu.memref_squeeze %dma_start3A_194 : memref<1x26x16xf32, #tpu.memory_space<hbm>> -> memref<26x16xf32, #tpu.memory_space<hbm>>
      %dma_start3A_196 = arith.constant 0 : i32
      %dma_start3A_197 = arith.constant 0 : i32
      %dma_start3A_198 = tpu.memref_slice %arg4[%add3A_188, %dma_start3A_196, %dma_start3A_197] : memref<16384x32x128xf32, #tpu.memory_space<hbm>> -> memref<1x26x16xf32, #tpu.memory_space<hbm>>
      %dma_start3A_199 = tpu.memref_squeeze %dma_start3A_198 : memref<1x26x16xf32, #tpu.memory_space<hbm>> -> memref<26x16xf32, #tpu.memory_space<hbm>>
      %dma_start3A_200 = arith.constant 260 : i32
      %dma_start3A_201 = arith.constant 0 : i32
      %dma_start3A_202 = tpu.memref_slice %arg7[%dma_start3A_200, %dma_start3A_201] : memref<416x16xf32, #tpu.memory_space<vmem>> -> memref<26x16xf32, #tpu.memory_space<vmem>>
      tpu.enqueue_dma source(%dma_start3A_202 : memref<26x16xf32, #tpu.memory_space<vmem>>) target(%dma_start3A_199 : memref<26x16xf32, #tpu.memory_space<hbm>>) target_semaphore(%arg11 : memref<!tpu.dma_semaphore, #tpu.memory_space<semaphore_mem>>)
      %add3A_203 = arith.constant 11 : i32
      %add3A_204 = arith.addi %add3A_13, %add3A_203 : i32
      %dma_start3A_205 = arith.constant 286 : i32
      %dma_start3A_206 = arith.constant 0 : i32
      %dma_start3A_207 = tpu.memref_slice %arg7[%dma_start3A_205, %dma_start3A_206] : memref<416x16xf32, #tpu.memory_space<vmem>> -> memref<26x16xf32, #tpu.memory_space<vmem>>
      %dma_start3A_208 = arith.constant 0 : i32
      %dma_start3A_209 = arith.constant 0 : i32
      %dma_start3A_210 = tpu.memref_slice %arg4[%add3A_204, %dma_start3A_208, %dma_start3A_209] : memref<16384x32x128xf32, #tpu.memory_space<hbm>> -> memref<1x26x16xf32, #tpu.memory_space<hbm>>
      %dma_start3A_211 = tpu.memref_squeeze %dma_start3A_210 : memref<1x26x16xf32, #tpu.memory_space<hbm>> -> memref<26x16xf32, #tpu.memory_space<hbm>>
      %dma_start3A_212 = arith.constant 0 : i32
      %dma_start3A_213 = arith.constant 0 : i32
      %dma_start3A_214 = tpu.memref_slice %arg4[%add3A_204, %dma_start3A_212, %dma_start3A_213] : memref<16384x32x128xf32, #tpu.memory_space<hbm>> -> memref<1x26x16xf32, #tpu.memory_space<hbm>>
      %dma_start3A_215 = tpu.memref_squeeze %dma_start3A_214 : memref<1x26x16xf32, #tpu.memory_space<hbm>> -> memref<26x16xf32, #tpu.memory_space<hbm>>
      %dma_start3A_216 = arith.constant 286 : i32
      %dma_start3A_217 = arith.constant 0 : i32
      %dma_start3A_218 = tpu.memref_slice %arg7[%dma_start3A_216, %dma_start3A_217] : memref<416x16xf32, #tpu.memory_space<vmem>> -> memref<26x16xf32, #tpu.memory_space<vmem>>
      tpu.enqueue_dma source(%dma_start3A_218 : memref<26x16xf32, #tpu.memory_space<vmem>>) target(%dma_start3A_215 : memref<26x16xf32, #tpu.memory_space<hbm>>) target_semaphore(%arg11 : memref<!tpu.dma_semaphore, #tpu.memory_space<semaphore_mem>>)
      %add3A_219 = arith.constant 12 : i32
      %add3A_220 = arith.addi %add3A_13, %add3A_219 : i32
      %dma_start3A_221 = arith.constant 312 : i32
      %dma_start3A_222 = arith.constant 0 : i32
      %dma_start3A_223 = tpu.memref_slice %arg7[%dma_start3A_221, %dma_start3A_222] : memref<416x16xf32, #tpu.memory_space<vmem>> -> memref<26x16xf32, #tpu.memory_space<vmem>>
      %dma_start3A_224 = arith.constant 0 : i32
      %dma_start3A_225 = arith.constant 0 : i32
      %dma_start3A_226 = tpu.memref_slice %arg4[%add3A_220, %dma_start3A_224, %dma_start3A_225] : memref<16384x32x128xf32, #tpu.memory_space<hbm>> -> memref<1x26x16xf32, #tpu.memory_space<hbm>>
      %dma_start3A_227 = tpu.memref_squeeze %dma_start3A_226 : memref<1x26x16xf32, #tpu.memory_space<hbm>> -> memref<26x16xf32, #tpu.memory_space<hbm>>
      %dma_start3A_228 = arith.constant 0 : i32
      %dma_start3A_229 = arith.constant 0 : i32
      %dma_start3A_230 = tpu.memref_slice %arg4[%add3A_220, %dma_start3A_228, %dma_start3A_229] : memref<16384x32x128xf32, #tpu.memory_space<hbm>> -> memref<1x26x16xf32, #tpu.memory_space<hbm>>
      %dma_start3A_231 = tpu.memref_squeeze %dma_start3A_230 : memref<1x26x16xf32, #tpu.memory_space<hbm>> -> memref<26x16xf32, #tpu.memory_space<hbm>>
      %dma_start3A_232 = arith.constant 312 : i32
      %dma_start3A_233 = arith.constant 0 : i32
      %dma_start3A_234 = tpu.memref_slice %arg7[%dma_start3A_232, %dma_start3A_233] : memref<416x16xf32, #tpu.memory_space<vmem>> -> memref<26x16xf32, #tpu.memory_space<vmem>>
      tpu.enqueue_dma source(%dma_start3A_234 : memref<26x16xf32, #tpu.memory_space<vmem>>) target(%dma_start3A_231 : memref<26x16xf32, #tpu.memory_space<hbm>>) target_semaphore(%arg11 : memref<!tpu.dma_semaphore, #tpu.memory_space<semaphore_mem>>)
      %add3A_235 = arith.constant 13 : i32
      %add3A_236 = arith.addi %add3A_13, %add3A_235 : i32
      %dma_start3A_237 = arith.constant 338 : i32
      %dma_start3A_238 = arith.constant 0 : i32
      %dma_start3A_239 = tpu.memref_slice %arg7[%dma_start3A_237, %dma_start3A_238] : memref<416x16xf32, #tpu.memory_space<vmem>> -> memref<26x16xf32, #tpu.memory_space<vmem>>
      %dma_start3A_240 = arith.constant 0 : i32
      %dma_start3A_241 = arith.constant 0 : i32
      %dma_start3A_242 = tpu.memref_slice %arg4[%add3A_236, %dma_start3A_240, %dma_start3A_241] : memref<16384x32x128xf32, #tpu.memory_space<hbm>> -> memref<1x26x16xf32, #tpu.memory_space<hbm>>
      %dma_start3A_243 = tpu.memref_squeeze %dma_start3A_242 : memref<1x26x16xf32, #tpu.memory_space<hbm>> -> memref<26x16xf32, #tpu.memory_space<hbm>>
      %dma_start3A_244 = arith.constant 0 : i32
      %dma_start3A_245 = arith.constant 0 : i32
      %dma_start3A_246 = tpu.memref_slice %arg4[%add3A_236, %dma_start3A_244, %dma_start3A_245] : memref<16384x32x128xf32, #tpu.memory_space<hbm>> -> memref<1x26x16xf32, #tpu.memory_space<hbm>>
      %dma_start3A_247 = tpu.memref_squeeze %dma_start3A_246 : memref<1x26x16xf32, #tpu.memory_space<hbm>> -> memref<26x16xf32, #tpu.memory_space<hbm>>
      %dma_start3A_248 = arith.constant 338 : i32
      %dma_start3A_249 = arith.constant 0 : i32
      %dma_start3A_250 = tpu.memref_slice %arg7[%dma_start3A_248, %dma_start3A_249] : memref<416x16xf32, #tpu.memory_space<vmem>> -> memref<26x16xf32, #tpu.memory_space<vmem>>
      tpu.enqueue_dma source(%dma_start3A_250 : memref<26x16xf32, #tpu.memory_space<vmem>>) target(%dma_start3A_247 : memref<26x16xf32, #tpu.memory_space<hbm>>) target_semaphore(%arg11 : memref<!tpu.dma_semaphore, #tpu.memory_space<semaphore_mem>>)
      %add3A_251 = arith.constant 14 : i32
      %add3A_252 = arith.addi %add3A_13, %add3A_251 : i32
      %dma_start3A_253 = arith.constant 364 : i32
      %dma_start3A_254 = arith.constant 0 : i32
      %dma_start3A_255 = tpu.memref_slice %arg7[%dma_start3A_253, %dma_start3A_254] : memref<416x16xf32, #tpu.memory_space<vmem>> -> memref<26x16xf32, #tpu.memory_space<vmem>>
      %dma_start3A_256 = arith.constant 0 : i32
      %dma_start3A_257 = arith.constant 0 : i32
      %dma_start3A_258 = tpu.memref_slice %arg4[%add3A_252, %dma_start3A_256, %dma_start3A_257] : memref<16384x32x128xf32, #tpu.memory_space<hbm>> -> memref<1x26x16xf32, #tpu.memory_space<hbm>>
      %dma_start3A_259 = tpu.memref_squeeze %dma_start3A_258 : memref<1x26x16xf32, #tpu.memory_space<hbm>> -> memref<26x16xf32, #tpu.memory_space<hbm>>
      %dma_start3A_260 = arith.constant 0 : i32
      %dma_start3A_261 = arith.constant 0 : i32
      %dma_start3A_262 = tpu.memref_slice %arg4[%add3A_252, %dma_start3A_260, %dma_start3A_261] : memref<16384x32x128xf32, #tpu.memory_space<hbm>> -> memref<1x26x16xf32, #tpu.memory_space<hbm>>
      %dma_start3A_263 = tpu.memref_squeeze %dma_start3A_262 : memref<1x26x16xf32, #tpu.memory_space<hbm>> -> memref<26x16xf32, #tpu.memory_space<hbm>>
      %dma_start3A_264 = arith.constant 364 : i32
      %dma_start3A_265 = arith.constant 0 : i32
      %dma_start3A_266 = tpu.memref_slice %arg7[%dma_start3A_264, %dma_start3A_265] : memref<416x16xf32, #tpu.memory_space<vmem>> -> memref<26x16xf32, #tpu.memory_space<vmem>>
      tpu.enqueue_dma source(%dma_start3A_266 : memref<26x16xf32, #tpu.memory_space<vmem>>) target(%dma_start3A_263 : memref<26x16xf32, #tpu.memory_space<hbm>>) target_semaphore(%arg11 : memref<!tpu.dma_semaphore, #tpu.memory_space<semaphore_mem>>)
      %add3A_267 = arith.constant 15 : i32
      %add3A_268 = arith.addi %add3A_13, %add3A_267 : i32
      %dma_start3A_269 = arith.constant 390 : i32
      %dma_start3A_270 = arith.constant 0 : i32
      %dma_start3A_271 = tpu.memref_slice %arg7[%dma_start3A_269, %dma_start3A_270] : memref<416x16xf32, #tpu.memory_space<vmem>> -> memref<26x16xf32, #tpu.memory_space<vmem>>
      %dma_start3A_272 = arith.constant 0 : i32
      %dma_start3A_273 = arith.constant 0 : i32
      %dma_start3A_274 = tpu.memref_slice %arg4[%add3A_268, %dma_start3A_272, %dma_start3A_273] : memref<16384x32x128xf32, #tpu.memory_space<hbm>> -> memref<1x26x16xf32, #tpu.memory_space<hbm>>
      %dma_start3A_275 = tpu.memref_squeeze %dma_start3A_274 : memref<1x26x16xf32, #tpu.memory_space<hbm>> -> memref<26x16xf32, #tpu.memory_space<hbm>>
      %dma_start3A_276 = arith.constant 0 : i32
      %dma_start3A_277 = arith.constant 0 : i32
      %dma_start3A_278 = tpu.memref_slice %arg4[%add3A_268, %dma_start3A_276, %dma_start3A_277] : memref<16384x32x128xf32, #tpu.memory_space<hbm>> -> memref<1x26x16xf32, #tpu.memory_space<hbm>>
      %dma_start3A_279 = tpu.memref_squeeze %dma_start3A_278 : memref<1x26x16xf32, #tpu.memory_space<hbm>> -> memref<26x16xf32, #tpu.memory_space<hbm>>
      %dma_start3A_280 = arith.constant 390 : i32
      %dma_start3A_281 = arith.constant 0 : i32
      %dma_start3A_282 = tpu.memref_slice %arg7[%dma_start3A_280, %dma_start3A_281] : memref<416x16xf32, #tpu.memory_space<vmem>> -> memref<26x16xf32, #tpu.memory_space<vmem>>
      tpu.enqueue_dma source(%dma_start3A_282 : memref<26x16xf32, #tpu.memory_space<vmem>>) target(%dma_start3A_279 : memref<26x16xf32, #tpu.memory_space<hbm>>) target_semaphore(%arg11 : memref<!tpu.dma_semaphore, #tpu.memory_space<semaphore_mem>>)
      %dma_wait3A_283 = arith.constant 0 : i32
      %dma_wait3A_284 = arith.constant 0 : i32
      %dma_wait3A_285 = tpu.memref_slice %arg2[%dma_wait3A_283, %dma_wait3A_284] : memref<2600000x16xf32, #tpu.memory_space<hbm>> -> memref<2600000x16xf32, #tpu.memory_space<hbm>>
      tpu.wait_indirect_dma semaphore(%arg10 : memref<!tpu.dma_semaphore, #tpu.memory_space<semaphore_mem>>) src(%dma_wait3A_285 : memref<2600000x16xf32, #tpu.memory_space<hbm>>) dst(%arg8 : memref<416x16xf32, #tpu.memory_space<vmem>>)
      %add3A_286 = arith.constant 0 : i32
      %add3A_287 = arith.addi %add3A_15, %add3A_286 : i32
      %dma_start3A_288 = arith.constant 0 : i32
      %dma_start3A_289 = arith.constant 0 : i32
      %dma_start3A_290 = tpu.memref_slice %arg8[%dma_start3A_288, %dma_start3A_289] : memref<416x16xf32, #tpu.memory_space<vmem>> -> memref<26x16xf32, #tpu.memory_space<vmem>>
      %dma_start3A_291 = arith.constant 0 : i32
      %dma_start3A_292 = arith.constant 0 : i32
      %dma_start3A_293 = tpu.memref_slice %arg4[%add3A_287, %dma_start3A_291, %dma_start3A_292] : memref<16384x32x128xf32, #tpu.memory_space<hbm>> -> memref<1x26x16xf32, #tpu.memory_space<hbm>>
      %dma_start3A_294 = tpu.memref_squeeze %dma_start3A_293 : memref<1x26x16xf32, #tpu.memory_space<hbm>> -> memref<26x16xf32, #tpu.memory_space<hbm>>
      %dma_start3A_295 = arith.constant 0 : i32
      %dma_start3A_296 = arith.constant 0 : i32
      %dma_start3A_297 = tpu.memref_slice %arg4[%add3A_287, %dma_start3A_295, %dma_start3A_296] : memref<16384x32x128xf32, #tpu.memory_space<hbm>> -> memref<1x26x16xf32, #tpu.memory_space<hbm>>
      %dma_start3A_298 = tpu.memref_squeeze %dma_start3A_297 : memref<1x26x16xf32, #tpu.memory_space<hbm>> -> memref<26x16xf32, #tpu.memory_space<hbm>>
      %dma_start3A_299 = arith.constant 0 : i32
      %dma_start3A_300 = arith.constant 0 : i32
      %dma_start3A_301 = tpu.memref_slice %arg8[%dma_start3A_299, %dma_start3A_300] : memref<416x16xf32, #tpu.memory_space<vmem>> -> memref<26x16xf32, #tpu.memory_space<vmem>>
      tpu.enqueue_dma source(%dma_start3A_301 : memref<26x16xf32, #tpu.memory_space<vmem>>) target(%dma_start3A_298 : memref<26x16xf32, #tpu.memory_space<hbm>>) target_semaphore(%arg11 : memref<!tpu.dma_semaphore, #tpu.memory_space<semaphore_mem>>)
      %add3A_302 = arith.constant 1 : i32
      %add3A_303 = arith.addi %add3A_15, %add3A_302 : i32
      %dma_start3A_304 = arith.constant 26 : i32
      %dma_start3A_305 = arith.constant 0 : i32
      %dma_start3A_306 = tpu.memref_slice %arg8[%dma_start3A_304, %dma_start3A_305] : memref<416x16xf32, #tpu.memory_space<vmem>> -> memref<26x16xf32, #tpu.memory_space<vmem>>
      %dma_start3A_307 = arith.constant 0 : i32
      %dma_start3A_308 = arith.constant 0 : i32
      %dma_start3A_309 = tpu.memref_slice %arg4[%add3A_303, %dma_start3A_307, %dma_start3A_308] : memref<16384x32x128xf32, #tpu.memory_space<hbm>> -> memref<1x26x16xf32, #tpu.memory_space<hbm>>
      %dma_start3A_310 = tpu.memref_squeeze %dma_start3A_309 : memref<1x26x16xf32, #tpu.memory_space<hbm>> -> memref<26x16xf32, #tpu.memory_space<hbm>>
      %dma_start3A_311 = arith.constant 0 : i32
      %dma_start3A_312 = arith.constant 0 : i32
      %dma_start3A_313 = tpu.memref_slice %arg4[%add3A_303, %dma_start3A_311, %dma_start3A_312] : memref<16384x32x128xf32, #tpu.memory_space<hbm>> -> memref<1x26x16xf32, #tpu.memory_space<hbm>>
      %dma_start3A_314 = tpu.memref_squeeze %dma_start3A_313 : memref<1x26x16xf32, #tpu.memory_space<hbm>> -> memref<26x16xf32, #tpu.memory_space<hbm>>
      %dma_start3A_315 = arith.constant 26 : i32
      %dma_start3A_316 = arith.constant 0 : i32
      %dma_start3A_317 = tpu.memref_slice %arg8[%dma_start3A_315, %dma_start3A_316] : memref<416x16xf32, #tpu.memory_space<vmem>> -> memref<26x16xf32, #tpu.memory_space<vmem>>
      tpu.enqueue_dma source(%dma_start3A_317 : memref<26x16xf32, #tpu.memory_space<vmem>>) target(%dma_start3A_314 : memref<26x16xf32, #tpu.memory_space<hbm>>) target_semaphore(%arg11 : memref<!tpu.dma_semaphore, #tpu.memory_space<semaphore_mem>>)
      %add3A_318 = arith.constant 2 : i32
      %add3A_319 = arith.addi %add3A_15, %add3A_318 : i32
      %dma_start3A_320 = arith.constant 52 : i32
      %dma_start3A_321 = arith.constant 0 : i32
      %dma_start3A_322 = tpu.memref_slice %arg8[%dma_start3A_320, %dma_start3A_321] : memref<416x16xf32, #tpu.memory_space<vmem>> -> memref<26x16xf32, #tpu.memory_space<vmem>>
      %dma_start3A_323 = arith.constant 0 : i32
      %dma_start3A_324 = arith.constant 0 : i32
      %dma_start3A_325 = tpu.memref_slice %arg4[%add3A_319, %dma_start3A_323, %dma_start3A_324] : memref<16384x32x128xf32, #tpu.memory_space<hbm>> -> memref<1x26x16xf32, #tpu.memory_space<hbm>>
      %dma_start3A_326 = tpu.memref_squeeze %dma_start3A_325 : memref<1x26x16xf32, #tpu.memory_space<hbm>> -> memref<26x16xf32, #tpu.memory_space<hbm>>
      %dma_start3A_327 = arith.constant 0 : i32
      %dma_start3A_328 = arith.constant 0 : i32
      %dma_start3A_329 = tpu.memref_slice %arg4[%add3A_319, %dma_start3A_327, %dma_start3A_328] : memref<16384x32x128xf32, #tpu.memory_space<hbm>> -> memref<1x26x16xf32, #tpu.memory_space<hbm>>
      %dma_start3A_330 = tpu.memref_squeeze %dma_start3A_329 : memref<1x26x16xf32, #tpu.memory_space<hbm>> -> memref<26x16xf32, #tpu.memory_space<hbm>>
      %dma_start3A_331 = arith.constant 52 : i32
      %dma_start3A_332 = arith.constant 0 : i32
      %dma_start3A_333 = tpu.memref_slice %arg8[%dma_start3A_331, %dma_start3A_332] : memref<416x16xf32, #tpu.memory_space<vmem>> -> memref<26x16xf32, #tpu.memory_space<vmem>>
      tpu.enqueue_dma source(%dma_start3A_333 : memref<26x16xf32, #tpu.memory_space<vmem>>) target(%dma_start3A_330 : memref<26x16xf32, #tpu.memory_space<hbm>>) target_semaphore(%arg11 : memref<!tpu.dma_semaphore, #tpu.memory_space<semaphore_mem>>)
      %add3A_334 = arith.constant 3 : i32
      %add3A_335 = arith.addi %add3A_15, %add3A_334 : i32
      %dma_start3A_336 = arith.constant 78 : i32
      %dma_start3A_337 = arith.constant 0 : i32
      %dma_start3A_338 = tpu.memref_slice %arg8[%dma_start3A_336, %dma_start3A_337] : memref<416x16xf32, #tpu.memory_space<vmem>> -> memref<26x16xf32, #tpu.memory_space<vmem>>
      %dma_start3A_339 = arith.constant 0 : i32
      %dma_start3A_340 = arith.constant 0 : i32
      %dma_start3A_341 = tpu.memref_slice %arg4[%add3A_335, %dma_start3A_339, %dma_start3A_340] : memref<16384x32x128xf32, #tpu.memory_space<hbm>> -> memref<1x26x16xf32, #tpu.memory_space<hbm>>
      %dma_start3A_342 = tpu.memref_squeeze %dma_start3A_341 : memref<1x26x16xf32, #tpu.memory_space<hbm>> -> memref<26x16xf32, #tpu.memory_space<hbm>>
      %dma_start3A_343 = arith.constant 0 : i32
      %dma_start3A_344 = arith.constant 0 : i32
      %dma_start3A_345 = tpu.memref_slice %arg4[%add3A_335, %dma_start3A_343, %dma_start3A_344] : memref<16384x32x128xf32, #tpu.memory_space<hbm>> -> memref<1x26x16xf32, #tpu.memory_space<hbm>>
      %dma_start3A_346 = tpu.memref_squeeze %dma_start3A_345 : memref<1x26x16xf32, #tpu.memory_space<hbm>> -> memref<26x16xf32, #tpu.memory_space<hbm>>
      %dma_start3A_347 = arith.constant 78 : i32
      %dma_start3A_348 = arith.constant 0 : i32
      %dma_start3A_349 = tpu.memref_slice %arg8[%dma_start3A_347, %dma_start3A_348] : memref<416x16xf32, #tpu.memory_space<vmem>> -> memref<26x16xf32, #tpu.memory_space<vmem>>
      tpu.enqueue_dma source(%dma_start3A_349 : memref<26x16xf32, #tpu.memory_space<vmem>>) target(%dma_start3A_346 : memref<26x16xf32, #tpu.memory_space<hbm>>) target_semaphore(%arg11 : memref<!tpu.dma_semaphore, #tpu.memory_space<semaphore_mem>>)
      %add3A_350 = arith.constant 4 : i32
      %add3A_351 = arith.addi %add3A_15, %add3A_350 : i32
      %dma_start3A_352 = arith.constant 104 : i32
      %dma_start3A_353 = arith.constant 0 : i32
      %dma_start3A_354 = tpu.memref_slice %arg8[%dma_start3A_352, %dma_start3A_353] : memref<416x16xf32, #tpu.memory_space<vmem>> -> memref<26x16xf32, #tpu.memory_space<vmem>>
      %dma_start3A_355 = arith.constant 0 : i32
      %dma_start3A_356 = arith.constant 0 : i32
      %dma_start3A_357 = tpu.memref_slice %arg4[%add3A_351, %dma_start3A_355, %dma_start3A_356] : memref<16384x32x128xf32, #tpu.memory_space<hbm>> -> memref<1x26x16xf32, #tpu.memory_space<hbm>>
      %dma_start3A_358 = tpu.memref_squeeze %dma_start3A_357 : memref<1x26x16xf32, #tpu.memory_space<hbm>> -> memref<26x16xf32, #tpu.memory_space<hbm>>
      %dma_start3A_359 = arith.constant 0 : i32
      %dma_start3A_360 = arith.constant 0 : i32
      %dma_start3A_361 = tpu.memref_slice %arg4[%add3A_351, %dma_start3A_359, %dma_start3A_360] : memref<16384x32x128xf32, #tpu.memory_space<hbm>> -> memref<1x26x16xf32, #tpu.memory_space<hbm>>
      %dma_start3A_362 = tpu.memref_squeeze %dma_start3A_361 : memref<1x26x16xf32, #tpu.memory_space<hbm>> -> memref<26x16xf32, #tpu.memory_space<hbm>>
      %dma_start3A_363 = arith.constant 104 : i32
      %dma_start3A_364 = arith.constant 0 : i32
      %dma_start3A_365 = tpu.memref_slice %arg8[%dma_start3A_363, %dma_start3A_364] : memref<416x16xf32, #tpu.memory_space<vmem>> -> memref<26x16xf32, #tpu.memory_space<vmem>>
      tpu.enqueue_dma source(%dma_start3A_365 : memref<26x16xf32, #tpu.memory_space<vmem>>) target(%dma_start3A_362 : memref<26x16xf32, #tpu.memory_space<hbm>>) target_semaphore(%arg11 : memref<!tpu.dma_semaphore, #tpu.memory_space<semaphore_mem>>)
      %add3A_366 = arith.constant 5 : i32
      %add3A_367 = arith.addi %add3A_15, %add3A_366 : i32
      %dma_start3A_368 = arith.constant 130 : i32
      %dma_start3A_369 = arith.constant 0 : i32
      %dma_start3A_370 = tpu.memref_slice %arg8[%dma_start3A_368, %dma_start3A_369] : memref<416x16xf32, #tpu.memory_space<vmem>> -> memref<26x16xf32, #tpu.memory_space<vmem>>
      %dma_start3A_371 = arith.constant 0 : i32
      %dma_start3A_372 = arith.constant 0 : i32
      %dma_start3A_373 = tpu.memref_slice %arg4[%add3A_367, %dma_start3A_371, %dma_start3A_372] : memref<16384x32x128xf32, #tpu.memory_space<hbm>> -> memref<1x26x16xf32, #tpu.memory_space<hbm>>
      %dma_start3A_374 = tpu.memref_squeeze %dma_start3A_373 : memref<1x26x16xf32, #tpu.memory_space<hbm>> -> memref<26x16xf32, #tpu.memory_space<hbm>>
      %dma_start3A_375 = arith.constant 0 : i32
      %dma_start3A_376 = arith.constant 0 : i32
      %dma_start3A_377 = tpu.memref_slice %arg4[%add3A_367, %dma_start3A_375, %dma_start3A_376] : memref<16384x32x128xf32, #tpu.memory_space<hbm>> -> memref<1x26x16xf32, #tpu.memory_space<hbm>>
      %dma_start3A_378 = tpu.memref_squeeze %dma_start3A_377 : memref<1x26x16xf32, #tpu.memory_space<hbm>> -> memref<26x16xf32, #tpu.memory_space<hbm>>
      %dma_start3A_379 = arith.constant 130 : i32
      %dma_start3A_380 = arith.constant 0 : i32
      %dma_start3A_381 = tpu.memref_slice %arg8[%dma_start3A_379, %dma_start3A_380] : memref<416x16xf32, #tpu.memory_space<vmem>> -> memref<26x16xf32, #tpu.memory_space<vmem>>
      tpu.enqueue_dma source(%dma_start3A_381 : memref<26x16xf32, #tpu.memory_space<vmem>>) target(%dma_start3A_378 : memref<26x16xf32, #tpu.memory_space<hbm>>) target_semaphore(%arg11 : memref<!tpu.dma_semaphore, #tpu.memory_space<semaphore_mem>>)
      %add3A_382 = arith.constant 6 : i32
      %add3A_383 = arith.addi %add3A_15, %add3A_382 : i32
      %dma_start3A_384 = arith.constant 156 : i32
      %dma_start3A_385 = arith.constant 0 : i32
      %dma_start3A_386 = tpu.memref_slice %arg8[%dma_start3A_384, %dma_start3A_385] : memref<416x16xf32, #tpu.memory_space<vmem>> -> memref<26x16xf32, #tpu.memory_space<vmem>>
      %dma_start3A_387 = arith.constant 0 : i32
      %dma_start3A_388 = arith.constant 0 : i32
      %dma_start3A_389 = tpu.memref_slice %arg4[%add3A_383, %dma_start3A_387, %dma_start3A_388] : memref<16384x32x128xf32, #tpu.memory_space<hbm>> -> memref<1x26x16xf32, #tpu.memory_space<hbm>>
      %dma_start3A_390 = tpu.memref_squeeze %dma_start3A_389 : memref<1x26x16xf32, #tpu.memory_space<hbm>> -> memref<26x16xf32, #tpu.memory_space<hbm>>
      %dma_start3A_391 = arith.constant 0 : i32
      %dma_start3A_392 = arith.constant 0 : i32
      %dma_start3A_393 = tpu.memref_slice %arg4[%add3A_383, %dma_start3A_391, %dma_start3A_392] : memref<16384x32x128xf32, #tpu.memory_space<hbm>> -> memref<1x26x16xf32, #tpu.memory_space<hbm>>
      %dma_start3A_394 = tpu.memref_squeeze %dma_start3A_393 : memref<1x26x16xf32, #tpu.memory_space<hbm>> -> memref<26x16xf32, #tpu.memory_space<hbm>>
      %dma_start3A_395 = arith.constant 156 : i32
      %dma_start3A_396 = arith.constant 0 : i32
      %dma_start3A_397 = tpu.memref_slice %arg8[%dma_start3A_395, %dma_start3A_396] : memref<416x16xf32, #tpu.memory_space<vmem>> -> memref<26x16xf32, #tpu.memory_space<vmem>>
      tpu.enqueue_dma source(%dma_start3A_397 : memref<26x16xf32, #tpu.memory_space<vmem>>) target(%dma_start3A_394 : memref<26x16xf32, #tpu.memory_space<hbm>>) target_semaphore(%arg11 : memref<!tpu.dma_semaphore, #tpu.memory_space<semaphore_mem>>)
      %add3A_398 = arith.constant 7 : i32
      %add3A_399 = arith.addi %add3A_15, %add3A_398 : i32
      %dma_start3A_400 = arith.constant 182 : i32
      %dma_start3A_401 = arith.constant 0 : i32
      %dma_start3A_402 = tpu.memref_slice %arg8[%dma_start3A_400, %dma_start3A_401] : memref<416x16xf32, #tpu.memory_space<vmem>> -> memref<26x16xf32, #tpu.memory_space<vmem>>
      %dma_start3A_403 = arith.constant 0 : i32
      %dma_start3A_404 = arith.constant 0 : i32
      %dma_start3A_405 = tpu.memref_slice %arg4[%add3A_399, %dma_start3A_403, %dma_start3A_404] : memref<16384x32x128xf32, #tpu.memory_space<hbm>> -> memref<1x26x16xf32, #tpu.memory_space<hbm>>
      %dma_start3A_406 = tpu.memref_squeeze %dma_start3A_405 : memref<1x26x16xf32, #tpu.memory_space<hbm>> -> memref<26x16xf32, #tpu.memory_space<hbm>>
      %dma_start3A_407 = arith.constant 0 : i32
      %dma_start3A_408 = arith.constant 0 : i32
      %dma_start3A_409 = tpu.memref_slice %arg4[%add3A_399, %dma_start3A_407, %dma_start3A_408] : memref<16384x32x128xf32, #tpu.memory_space<hbm>> -> memref<1x26x16xf32, #tpu.memory_space<hbm>>
      %dma_start3A_410 = tpu.memref_squeeze %dma_start3A_409 : memref<1x26x16xf32, #tpu.memory_space<hbm>> -> memref<26x16xf32, #tpu.memory_space<hbm>>
      %dma_start3A_411 = arith.constant 182 : i32
      %dma_start3A_412 = arith.constant 0 : i32
      %dma_start3A_413 = tpu.memref_slice %arg8[%dma_start3A_411, %dma_start3A_412] : memref<416x16xf32, #tpu.memory_space<vmem>> -> memref<26x16xf32, #tpu.memory_space<vmem>>
      tpu.enqueue_dma source(%dma_start3A_413 : memref<26x16xf32, #tpu.memory_space<vmem>>) target(%dma_start3A_410 : memref<26x16xf32, #tpu.memory_space<hbm>>) target_semaphore(%arg11 : memref<!tpu.dma_semaphore, #tpu.memory_space<semaphore_mem>>)
      %add3A_414 = arith.constant 8 : i32
      %add3A_415 = arith.addi %add3A_15, %add3A_414 : i32
      %dma_start3A_416 = arith.constant 208 : i32
      %dma_start3A_417 = arith.constant 0 : i32
      %dma_start3A_418 = tpu.memref_slice %arg8[%dma_start3A_416, %dma_start3A_417] : memref<416x16xf32, #tpu.memory_space<vmem>> -> memref<26x16xf32, #tpu.memory_space<vmem>>
      %dma_start3A_419 = arith.constant 0 : i32
      %dma_start3A_420 = arith.constant 0 : i32
      %dma_start3A_421 = tpu.memref_slice %arg4[%add3A_415, %dma_start3A_419, %dma_start3A_420] : memref<16384x32x128xf32, #tpu.memory_space<hbm>> -> memref<1x26x16xf32, #tpu.memory_space<hbm>>
      %dma_start3A_422 = tpu.memref_squeeze %dma_start3A_421 : memref<1x26x16xf32, #tpu.memory_space<hbm>> -> memref<26x16xf32, #tpu.memory_space<hbm>>
      %dma_start3A_423 = arith.constant 0 : i32
      %dma_start3A_424 = arith.constant 0 : i32
      %dma_start3A_425 = tpu.memref_slice %arg4[%add3A_415, %dma_start3A_423, %dma_start3A_424] : memref<16384x32x128xf32, #tpu.memory_space<hbm>> -> memref<1x26x16xf32, #tpu.memory_space<hbm>>
      %dma_start3A_426 = tpu.memref_squeeze %dma_start3A_425 : memref<1x26x16xf32, #tpu.memory_space<hbm>> -> memref<26x16xf32, #tpu.memory_space<hbm>>
      %dma_start3A_427 = arith.constant 208 : i32
      %dma_start3A_428 = arith.constant 0 : i32
      %dma_start3A_429 = tpu.memref_slice %arg8[%dma_start3A_427, %dma_start3A_428] : memref<416x16xf32, #tpu.memory_space<vmem>> -> memref<26x16xf32, #tpu.memory_space<vmem>>
      tpu.enqueue_dma source(%dma_start3A_429 : memref<26x16xf32, #tpu.memory_space<vmem>>) target(%dma_start3A_426 : memref<26x16xf32, #tpu.memory_space<hbm>>) target_semaphore(%arg11 : memref<!tpu.dma_semaphore, #tpu.memory_space<semaphore_mem>>)
      %add3A_430 = arith.constant 9 : i32
      %add3A_431 = arith.addi %add3A_15, %add3A_430 : i32
      %dma_start3A_432 = arith.constant 234 : i32
      %dma_start3A_433 = arith.constant 0 : i32
      %dma_start3A_434 = tpu.memref_slice %arg8[%dma_start3A_432, %dma_start3A_433] : memref<416x16xf32, #tpu.memory_space<vmem>> -> memref<26x16xf32, #tpu.memory_space<vmem>>
      %dma_start3A_435 = arith.constant 0 : i32
      %dma_start3A_436 = arith.constant 0 : i32
      %dma_start3A_437 = tpu.memref_slice %arg4[%add3A_431, %dma_start3A_435, %dma_start3A_436] : memref<16384x32x128xf32, #tpu.memory_space<hbm>> -> memref<1x26x16xf32, #tpu.memory_space<hbm>>
      %dma_start3A_438 = tpu.memref_squeeze %dma_start3A_437 : memref<1x26x16xf32, #tpu.memory_space<hbm>> -> memref<26x16xf32, #tpu.memory_space<hbm>>
      %dma_start3A_439 = arith.constant 0 : i32
      %dma_start3A_440 = arith.constant 0 : i32
      %dma_start3A_441 = tpu.memref_slice %arg4[%add3A_431, %dma_start3A_439, %dma_start3A_440] : memref<16384x32x128xf32, #tpu.memory_space<hbm>> -> memref<1x26x16xf32, #tpu.memory_space<hbm>>
      %dma_start3A_442 = tpu.memref_squeeze %dma_start3A_441 : memref<1x26x16xf32, #tpu.memory_space<hbm>> -> memref<26x16xf32, #tpu.memory_space<hbm>>
      %dma_start3A_443 = arith.constant 234 : i32
      %dma_start3A_444 = arith.constant 0 : i32
      %dma_start3A_445 = tpu.memref_slice %arg8[%dma_start3A_443, %dma_start3A_444] : memref<416x16xf32, #tpu.memory_space<vmem>> -> memref<26x16xf32, #tpu.memory_space<vmem>>
      tpu.enqueue_dma source(%dma_start3A_445 : memref<26x16xf32, #tpu.memory_space<vmem>>) target(%dma_start3A_442 : memref<26x16xf32, #tpu.memory_space<hbm>>) target_semaphore(%arg11 : memref<!tpu.dma_semaphore, #tpu.memory_space<semaphore_mem>>)
      %add3A_446 = arith.constant 10 : i32
      %add3A_447 = arith.addi %add3A_15, %add3A_446 : i32
      %dma_start3A_448 = arith.constant 260 : i32
      %dma_start3A_449 = arith.constant 0 : i32
      %dma_start3A_450 = tpu.memref_slice %arg8[%dma_start3A_448, %dma_start3A_449] : memref<416x16xf32, #tpu.memory_space<vmem>> -> memref<26x16xf32, #tpu.memory_space<vmem>>
      %dma_start3A_451 = arith.constant 0 : i32
      %dma_start3A_452 = arith.constant 0 : i32
      %dma_start3A_453 = tpu.memref_slice %arg4[%add3A_447, %dma_start3A_451, %dma_start3A_452] : memref<16384x32x128xf32, #tpu.memory_space<hbm>> -> memref<1x26x16xf32, #tpu.memory_space<hbm>>
      %dma_start3A_454 = tpu.memref_squeeze %dma_start3A_453 : memref<1x26x16xf32, #tpu.memory_space<hbm>> -> memref<26x16xf32, #tpu.memory_space<hbm>>
      %dma_start3A_455 = arith.constant 0 : i32
      %dma_start3A_456 = arith.constant 0 : i32
      %dma_start3A_457 = tpu.memref_slice %arg4[%add3A_447, %dma_start3A_455, %dma_start3A_456] : memref<16384x32x128xf32, #tpu.memory_space<hbm>> -> memref<1x26x16xf32, #tpu.memory_space<hbm>>
      %dma_start3A_458 = tpu.memref_squeeze %dma_start3A_457 : memref<1x26x16xf32, #tpu.memory_space<hbm>> -> memref<26x16xf32, #tpu.memory_space<hbm>>
      %dma_start3A_459 = arith.constant 260 : i32
      %dma_start3A_460 = arith.constant 0 : i32
      %dma_start3A_461 = tpu.memref_slice %arg8[%dma_start3A_459, %dma_start3A_460] : memref<416x16xf32, #tpu.memory_space<vmem>> -> memref<26x16xf32, #tpu.memory_space<vmem>>
      tpu.enqueue_dma source(%dma_start3A_461 : memref<26x16xf32, #tpu.memory_space<vmem>>) target(%dma_start3A_458 : memref<26x16xf32, #tpu.memory_space<hbm>>) target_semaphore(%arg11 : memref<!tpu.dma_semaphore, #tpu.memory_space<semaphore_mem>>)
      %add3A_462 = arith.constant 11 : i32
      %add3A_463 = arith.addi %add3A_15, %add3A_462 : i32
      %dma_start3A_464 = arith.constant 286 : i32
      %dma_start3A_465 = arith.constant 0 : i32
      %dma_start3A_466 = tpu.memref_slice %arg8[%dma_start3A_464, %dma_start3A_465] : memref<416x16xf32, #tpu.memory_space<vmem>> -> memref<26x16xf32, #tpu.memory_space<vmem>>
      %dma_start3A_467 = arith.constant 0 : i32
      %dma_start3A_468 = arith.constant 0 : i32
      %dma_start3A_469 = tpu.memref_slice %arg4[%add3A_463, %dma_start3A_467, %dma_start3A_468] : memref<16384x32x128xf32, #tpu.memory_space<hbm>> -> memref<1x26x16xf32, #tpu.memory_space<hbm>>
      %dma_start3A_470 = tpu.memref_squeeze %dma_start3A_469 : memref<1x26x16xf32, #tpu.memory_space<hbm>> -> memref<26x16xf32, #tpu.memory_space<hbm>>
      %dma_start3A_471 = arith.constant 0 : i32
      %dma_start3A_472 = arith.constant 0 : i32
      %dma_start3A_473 = tpu.memref_slice %arg4[%add3A_463, %dma_start3A_471, %dma_start3A_472] : memref<16384x32x128xf32, #tpu.memory_space<hbm>> -> memref<1x26x16xf32, #tpu.memory_space<hbm>>
      %dma_start3A_474 = tpu.memref_squeeze %dma_start3A_473 : memref<1x26x16xf32, #tpu.memory_space<hbm>> -> memref<26x16xf32, #tpu.memory_space<hbm>>
      %dma_start3A_475 = arith.constant 286 : i32
      %dma_start3A_476 = arith.constant 0 : i32
      %dma_start3A_477 = tpu.memref_slice %arg8[%dma_start3A_475, %dma_start3A_476] : memref<416x16xf32, #tpu.memory_space<vmem>> -> memref<26x16xf32, #tpu.memory_space<vmem>>
      tpu.enqueue_dma source(%dma_start3A_477 : memref<26x16xf32, #tpu.memory_space<vmem>>) target(%dma_start3A_474 : memref<26x16xf32, #tpu.memory_space<hbm>>) target_semaphore(%arg11 : memref<!tpu.dma_semaphore, #tpu.memory_space<semaphore_mem>>)
      %add3A_478 = arith.constant 12 : i32
      %add3A_479 = arith.addi %add3A_15, %add3A_478 : i32
      %dma_start3A_480 = arith.constant 312 : i32
      %dma_start3A_481 = arith.constant 0 : i32
      %dma_start3A_482 = tpu.memref_slice %arg8[%dma_start3A_480, %dma_start3A_481] : memref<416x16xf32, #tpu.memory_space<vmem>> -> memref<26x16xf32, #tpu.memory_space<vmem>>
      %dma_start3A_483 = arith.constant 0 : i32
      %dma_start3A_484 = arith.constant 0 : i32
      %dma_start3A_485 = tpu.memref_slice %arg4[%add3A_479, %dma_start3A_483, %dma_start3A_484] : memref<16384x32x128xf32, #tpu.memory_space<hbm>> -> memref<1x26x16xf32, #tpu.memory_space<hbm>>
      %dma_start3A_486 = tpu.memref_squeeze %dma_start3A_485 : memref<1x26x16xf32, #tpu.memory_space<hbm>> -> memref<26x16xf32, #tpu.memory_space<hbm>>
      %dma_start3A_487 = arith.constant 0 : i32
      %dma_start3A_488 = arith.constant 0 : i32
      %dma_start3A_489 = tpu.memref_slice %arg4[%add3A_479, %dma_start3A_487, %dma_start3A_488] : memref<16384x32x128xf32, #tpu.memory_space<hbm>> -> memref<1x26x16xf32, #tpu.memory_space<hbm>>
      %dma_start3A_490 = tpu.memref_squeeze %dma_start3A_489 : memref<1x26x16xf32, #tpu.memory_space<hbm>> -> memref<26x16xf32, #tpu.memory_space<hbm>>
      %dma_start3A_491 = arith.constant 312 : i32
      %dma_start3A_492 = arith.constant 0 : i32
      %dma_start3A_493 = tpu.memref_slice %arg8[%dma_start3A_491, %dma_start3A_492] : memref<416x16xf32, #tpu.memory_space<vmem>> -> memref<26x16xf32, #tpu.memory_space<vmem>>
      tpu.enqueue_dma source(%dma_start3A_493 : memref<26x16xf32, #tpu.memory_space<vmem>>) target(%dma_start3A_490 : memref<26x16xf32, #tpu.memory_space<hbm>>) target_semaphore(%arg11 : memref<!tpu.dma_semaphore, #tpu.memory_space<semaphore_mem>>)
      %add3A_494 = arith.constant 13 : i32
      %add3A_495 = arith.addi %add3A_15, %add3A_494 : i32
      %dma_start3A_496 = arith.constant 338 : i32
      %dma_start3A_497 = arith.constant 0 : i32
      %dma_start3A_498 = tpu.memref_slice %arg8[%dma_start3A_496, %dma_start3A_497] : memref<416x16xf32, #tpu.memory_space<vmem>> -> memref<26x16xf32, #tpu.memory_space<vmem>>
      %dma_start3A_499 = arith.constant 0 : i32
      %dma_start3A_500 = arith.constant 0 : i32
      %dma_start3A_501 = tpu.memref_slice %arg4[%add3A_495, %dma_start3A_499, %dma_start3A_500] : memref<16384x32x128xf32, #tpu.memory_space<hbm>> -> memref<1x26x16xf32, #tpu.memory_space<hbm>>
      %dma_start3A_502 = tpu.memref_squeeze %dma_start3A_501 : memref<1x26x16xf32, #tpu.memory_space<hbm>> -> memref<26x16xf32, #tpu.memory_space<hbm>>
      %dma_start3A_503 = arith.constant 0 : i32
      %dma_start3A_504 = arith.constant 0 : i32
      %dma_start3A_505 = tpu.memref_slice %arg4[%add3A_495, %dma_start3A_503, %dma_start3A_504] : memref<16384x32x128xf32, #tpu.memory_space<hbm>> -> memref<1x26x16xf32, #tpu.memory_space<hbm>>
      %dma_start3A_506 = tpu.memref_squeeze %dma_start3A_505 : memref<1x26x16xf32, #tpu.memory_space<hbm>> -> memref<26x16xf32, #tpu.memory_space<hbm>>
      %dma_start3A_507 = arith.constant 338 : i32
      %dma_start3A_508 = arith.constant 0 : i32
      %dma_start3A_509 = tpu.memref_slice %arg8[%dma_start3A_507, %dma_start3A_508] : memref<416x16xf32, #tpu.memory_space<vmem>> -> memref<26x16xf32, #tpu.memory_space<vmem>>
      tpu.enqueue_dma source(%dma_start3A_509 : memref<26x16xf32, #tpu.memory_space<vmem>>) target(%dma_start3A_506 : memref<26x16xf32, #tpu.memory_space<hbm>>) target_semaphore(%arg11 : memref<!tpu.dma_semaphore, #tpu.memory_space<semaphore_mem>>)
      %add3A_510 = arith.constant 14 : i32
      %add3A_511 = arith.addi %add3A_15, %add3A_510 : i32
      %dma_start3A_512 = arith.constant 364 : i32
      %dma_start3A_513 = arith.constant 0 : i32
      %dma_start3A_514 = tpu.memref_slice %arg8[%dma_start3A_512, %dma_start3A_513] : memref<416x16xf32, #tpu.memory_space<vmem>> -> memref<26x16xf32, #tpu.memory_space<vmem>>
      %dma_start3A_515 = arith.constant 0 : i32
      %dma_start3A_516 = arith.constant 0 : i32
      %dma_start3A_517 = tpu.memref_slice %arg4[%add3A_511, %dma_start3A_515, %dma_start3A_516] : memref<16384x32x128xf32, #tpu.memory_space<hbm>> -> memref<1x26x16xf32, #tpu.memory_space<hbm>>
      %dma_start3A_518 = tpu.memref_squeeze %dma_start3A_517 : memref<1x26x16xf32, #tpu.memory_space<hbm>> -> memref<26x16xf32, #tpu.memory_space<hbm>>
      %dma_start3A_519 = arith.constant 0 : i32
      %dma_start3A_520 = arith.constant 0 : i32
      %dma_start3A_521 = tpu.memref_slice %arg4[%add3A_511, %dma_start3A_519, %dma_start3A_520] : memref<16384x32x128xf32, #tpu.memory_space<hbm>> -> memref<1x26x16xf32, #tpu.memory_space<hbm>>
      %dma_start3A_522 = tpu.memref_squeeze %dma_start3A_521 : memref<1x26x16xf32, #tpu.memory_space<hbm>> -> memref<26x16xf32, #tpu.memory_space<hbm>>
      %dma_start3A_523 = arith.constant 364 : i32
      %dma_start3A_524 = arith.constant 0 : i32
      %dma_start3A_525 = tpu.memref_slice %arg8[%dma_start3A_523, %dma_start3A_524] : memref<416x16xf32, #tpu.memory_space<vmem>> -> memref<26x16xf32, #tpu.memory_space<vmem>>
      tpu.enqueue_dma source(%dma_start3A_525 : memref<26x16xf32, #tpu.memory_space<vmem>>) target(%dma_start3A_522 : memref<26x16xf32, #tpu.memory_space<hbm>>) target_semaphore(%arg11 : memref<!tpu.dma_semaphore, #tpu.memory_space<semaphore_mem>>)
      %add3A_526 = arith.constant 15 : i32
      %add3A_527 = arith.addi %add3A_15, %add3A_526 : i32
      %dma_start3A_528 = arith.constant 390 : i32
      %dma_start3A_529 = arith.constant 0 : i32
      %dma_start3A_530 = tpu.memref_slice %arg8[%dma_start3A_528, %dma_start3A_529] : memref<416x16xf32, #tpu.memory_space<vmem>> -> memref<26x16xf32, #tpu.memory_space<vmem>>
      %dma_start3A_531 = arith.constant 0 : i32
      %dma_start3A_532 = arith.constant 0 : i32
      %dma_start3A_533 = tpu.memref_slice %arg4[%add3A_527, %dma_start3A_531, %dma_start3A_532] : memref<16384x32x128xf32, #tpu.memory_space<hbm>> -> memref<1x26x16xf32, #tpu.memory_space<hbm>>
      %dma_start3A_534 = tpu.memref_squeeze %dma_start3A_533 : memref<1x26x16xf32, #tpu.memory_space<hbm>> -> memref<26x16xf32, #tpu.memory_space<hbm>>
      %dma_start3A_535 = arith.constant 0 : i32
      %dma_start3A_536 = arith.constant 0 : i32
      %dma_start3A_537 = tpu.memref_slice %arg4[%add3A_527, %dma_start3A_535, %dma_start3A_536] : memref<16384x32x128xf32, #tpu.memory_space<hbm>> -> memref<1x26x16xf32, #tpu.memory_space<hbm>>
      %dma_start3A_538 = tpu.memref_squeeze %dma_start3A_537 : memref<1x26x16xf32, #tpu.memory_space<hbm>> -> memref<26x16xf32, #tpu.memory_space<hbm>>
      %dma_start3A_539 = arith.constant 390 : i32
      %dma_start3A_540 = arith.constant 0 : i32
      %dma_start3A_541 = tpu.memref_slice %arg8[%dma_start3A_539, %dma_start3A_540] : memref<416x16xf32, #tpu.memory_space<vmem>> -> memref<26x16xf32, #tpu.memory_space<vmem>>
      tpu.enqueue_dma source(%dma_start3A_541 : memref<26x16xf32, #tpu.memory_space<vmem>>) target(%dma_start3A_538 : memref<26x16xf32, #tpu.memory_space<hbm>>) target_semaphore(%arg11 : memref<!tpu.dma_semaphore, #tpu.memory_space<semaphore_mem>>)
      %dma_wait3A_542 = arith.constant 0 : i32
      %dma_wait3A_543 = arith.constant 0 : i32
      %dma_wait3A_544 = tpu.memref_slice %arg7[%dma_wait3A_542, %dma_wait3A_543] : memref<416x16xf32, #tpu.memory_space<vmem>> -> memref<26x16xf32, #tpu.memory_space<vmem>>
      %dma_wait3A_545 = arith.constant 0 : i32
      %dma_wait3A_546 = arith.constant 0 : i32
      %dma_wait3A_547 = tpu.memref_slice %arg4[%add3A_28, %dma_wait3A_545, %dma_wait3A_546] : memref<16384x32x128xf32, #tpu.memory_space<hbm>> -> memref<1x26x16xf32, #tpu.memory_space<hbm>>
      %dma_wait3A_548 = tpu.memref_squeeze %dma_wait3A_547 : memref<1x26x16xf32, #tpu.memory_space<hbm>> -> memref<26x16xf32, #tpu.memory_space<hbm>>
      %dma_wait3A_549 = arith.constant 0 : i32
      %dma_wait3A_550 = arith.constant 0 : i32
      %dma_wait3A_551 = tpu.memref_slice %arg4[%add3A_28, %dma_wait3A_549, %dma_wait3A_550] : memref<16384x32x128xf32, #tpu.memory_space<hbm>> -> memref<1x26x16xf32, #tpu.memory_space<hbm>>
      %dma_wait3A_552 = tpu.memref_squeeze %dma_wait3A_551 : memref<1x26x16xf32, #tpu.memory_space<hbm>> -> memref<26x16xf32, #tpu.memory_space<hbm>>
      %dma_wait3A_553 = arith.constant 0 : i32
      %dma_wait3A_554 = arith.constant 0 : i32
      %dma_wait3A_555 = tpu.memref_slice %arg7[%dma_wait3A_553, %dma_wait3A_554] : memref<416x16xf32, #tpu.memory_space<vmem>> -> memref<26x16xf32, #tpu.memory_space<vmem>>
      tpu.wait_dma2 semaphore(%arg11 : memref<!tpu.dma_semaphore, #tpu.memory_space<semaphore_mem>>) src(%dma_wait3A_555 : memref<26x16xf32, #tpu.memory_space<vmem>>) dst(%dma_wait3A_552 : memref<26x16xf32, #tpu.memory_space<hbm>>)
      %dma_wait3A_556 = arith.constant 26 : i32
      %dma_wait3A_557 = arith.constant 0 : i32
      %dma_wait3A_558 = tpu.memref_slice %arg7[%dma_wait3A_556, %dma_wait3A_557] : memref<416x16xf32, #tpu.memory_space<vmem>> -> memref<26x16xf32, #tpu.memory_space<vmem>>
      %dma_wait3A_559 = arith.constant 0 : i32
      %dma_wait3A_560 = arith.constant 0 : i32
      %dma_wait3A_561 = tpu.memref_slice %arg4[%add3A_44, %dma_wait3A_559, %dma_wait3A_560] : memref<16384x32x128xf32, #tpu.memory_space<hbm>> -> memref<1x26x16xf32, #tpu.memory_space<hbm>>
      %dma_wait3A_562 = tpu.memref_squeeze %dma_wait3A_561 : memref<1x26x16xf32, #tpu.memory_space<hbm>> -> memref<26x16xf32, #tpu.memory_space<hbm>>
      %dma_wait3A_563 = arith.constant 0 : i32
      %dma_wait3A_564 = arith.constant 0 : i32
      %dma_wait3A_565 = tpu.memref_slice %arg4[%add3A_44, %dma_wait3A_563, %dma_wait3A_564] : memref<16384x32x128xf32, #tpu.memory_space<hbm>> -> memref<1x26x16xf32, #tpu.memory_space<hbm>>
      %dma_wait3A_566 = tpu.memref_squeeze %dma_wait3A_565 : memref<1x26x16xf32, #tpu.memory_space<hbm>> -> memref<26x16xf32, #tpu.memory_space<hbm>>
      %dma_wait3A_567 = arith.constant 26 : i32
      %dma_wait3A_568 = arith.constant 0 : i32
      %dma_wait3A_569 = tpu.memref_slice %arg7[%dma_wait3A_567, %dma_wait3A_568] : memref<416x16xf32, #tpu.memory_space<vmem>> -> memref<26x16xf32, #tpu.memory_space<vmem>>
      tpu.wait_dma2 semaphore(%arg11 : memref<!tpu.dma_semaphore, #tpu.memory_space<semaphore_mem>>) src(%dma_wait3A_569 : memref<26x16xf32, #tpu.memory_space<vmem>>) dst(%dma_wait3A_566 : memref<26x16xf32, #tpu.memory_space<hbm>>)
      %dma_wait3A_570 = arith.constant 52 : i32
      %dma_wait3A_571 = arith.constant 0 : i32
      %dma_wait3A_572 = tpu.memref_slice %arg7[%dma_wait3A_570, %dma_wait3A_571] : memref<416x16xf32, #tpu.memory_space<vmem>> -> memref<26x16xf32, #tpu.memory_space<vmem>>
      %dma_wait3A_573 = arith.constant 0 : i32
      %dma_wait3A_574 = arith.constant 0 : i32
      %dma_wait3A_575 = tpu.memref_slice %arg4[%add3A_60, %dma_wait3A_573, %dma_wait3A_574] : memref<16384x32x128xf32, #tpu.memory_space<hbm>> -> memref<1x26x16xf32, #tpu.memory_space<hbm>>
      %dma_wait3A_576 = tpu.memref_squeeze %dma_wait3A_575 : memref<1x26x16xf32, #tpu.memory_space<hbm>> -> memref<26x16xf32, #tpu.memory_space<hbm>>
      %dma_wait3A_577 = arith.constant 0 : i32
      %dma_wait3A_578 = arith.constant 0 : i32
      %dma_wait3A_579 = tpu.memref_slice %arg4[%add3A_60, %dma_wait3A_577, %dma_wait3A_578] : memref<16384x32x128xf32, #tpu.memory_space<hbm>> -> memref<1x26x16xf32, #tpu.memory_space<hbm>>
      %dma_wait3A_580 = tpu.memref_squeeze %dma_wait3A_579 : memref<1x26x16xf32, #tpu.memory_space<hbm>> -> memref<26x16xf32, #tpu.memory_space<hbm>>
      %dma_wait3A_581 = arith.constant 52 : i32
      %dma_wait3A_582 = arith.constant 0 : i32
      %dma_wait3A_583 = tpu.memref_slice %arg7[%dma_wait3A_581, %dma_wait3A_582] : memref<416x16xf32, #tpu.memory_space<vmem>> -> memref<26x16xf32, #tpu.memory_space<vmem>>
      tpu.wait_dma2 semaphore(%arg11 : memref<!tpu.dma_semaphore, #tpu.memory_space<semaphore_mem>>) src(%dma_wait3A_583 : memref<26x16xf32, #tpu.memory_space<vmem>>) dst(%dma_wait3A_580 : memref<26x16xf32, #tpu.memory_space<hbm>>)
      %dma_wait3A_584 = arith.constant 78 : i32
      %dma_wait3A_585 = arith.constant 0 : i32
      %dma_wait3A_586 = tpu.memref_slice %arg7[%dma_wait3A_584, %dma_wait3A_585] : memref<416x16xf32, #tpu.memory_space<vmem>> -> memref<26x16xf32, #tpu.memory_space<vmem>>
      %dma_wait3A_587 = arith.constant 0 : i32
      %dma_wait3A_588 = arith.constant 0 : i32
      %dma_wait3A_589 = tpu.memref_slice %arg4[%add3A_76, %dma_wait3A_587, %dma_wait3A_588] : memref<16384x32x128xf32, #tpu.memory_space<hbm>> -> memref<1x26x16xf32, #tpu.memory_space<hbm>>
      %dma_wait3A_590 = tpu.memref_squeeze %dma_wait3A_589 : memref<1x26x16xf32, #tpu.memory_space<hbm>> -> memref<26x16xf32, #tpu.memory_space<hbm>>
      %dma_wait3A_591 = arith.constant 0 : i32
      %dma_wait3A_592 = arith.constant 0 : i32
      %dma_wait3A_593 = tpu.memref_slice %arg4[%add3A_76, %dma_wait3A_591, %dma_wait3A_592] : memref<16384x32x128xf32, #tpu.memory_space<hbm>> -> memref<1x26x16xf32, #tpu.memory_space<hbm>>
      %dma_wait3A_594 = tpu.memref_squeeze %dma_wait3A_593 : memref<1x26x16xf32, #tpu.memory_space<hbm>> -> memref<26x16xf32, #tpu.memory_space<hbm>>
      %dma_wait3A_595 = arith.constant 78 : i32
      %dma_wait3A_596 = arith.constant 0 : i32
      %dma_wait3A_597 = tpu.memref_slice %arg7[%dma_wait3A_595, %dma_wait3A_596] : memref<416x16xf32, #tpu.memory_space<vmem>> -> memref<26x16xf32, #tpu.memory_space<vmem>>
      tpu.wait_dma2 semaphore(%arg11 : memref<!tpu.dma_semaphore, #tpu.memory_space<semaphore_mem>>) src(%dma_wait3A_597 : memref<26x16xf32, #tpu.memory_space<vmem>>) dst(%dma_wait3A_594 : memref<26x16xf32, #tpu.memory_space<hbm>>)
      %dma_wait3A_598 = arith.constant 104 : i32
      %dma_wait3A_599 = arith.constant 0 : i32
      %dma_wait3A_600 = tpu.memref_slice %arg7[%dma_wait3A_598, %dma_wait3A_599] : memref<416x16xf32, #tpu.memory_space<vmem>> -> memref<26x16xf32, #tpu.memory_space<vmem>>
      %dma_wait3A_601 = arith.constant 0 : i32
      %dma_wait3A_602 = arith.constant 0 : i32
      %dma_wait3A_603 = tpu.memref_slice %arg4[%add3A_92, %dma_wait3A_601, %dma_wait3A_602] : memref<16384x32x128xf32, #tpu.memory_space<hbm>> -> memref<1x26x16xf32, #tpu.memory_space<hbm>>
      %dma_wait3A_604 = tpu.memref_squeeze %dma_wait3A_603 : memref<1x26x16xf32, #tpu.memory_space<hbm>> -> memref<26x16xf32, #tpu.memory_space<hbm>>
      %dma_wait3A_605 = arith.constant 0 : i32
      %dma_wait3A_606 = arith.constant 0 : i32
      %dma_wait3A_607 = tpu.memref_slice %arg4[%add3A_92, %dma_wait3A_605, %dma_wait3A_606] : memref<16384x32x128xf32, #tpu.memory_space<hbm>> -> memref<1x26x16xf32, #tpu.memory_space<hbm>>
      %dma_wait3A_608 = tpu.memref_squeeze %dma_wait3A_607 : memref<1x26x16xf32, #tpu.memory_space<hbm>> -> memref<26x16xf32, #tpu.memory_space<hbm>>
      %dma_wait3A_609 = arith.constant 104 : i32
      %dma_wait3A_610 = arith.constant 0 : i32
      %dma_wait3A_611 = tpu.memref_slice %arg7[%dma_wait3A_609, %dma_wait3A_610] : memref<416x16xf32, #tpu.memory_space<vmem>> -> memref<26x16xf32, #tpu.memory_space<vmem>>
      tpu.wait_dma2 semaphore(%arg11 : memref<!tpu.dma_semaphore, #tpu.memory_space<semaphore_mem>>) src(%dma_wait3A_611 : memref<26x16xf32, #tpu.memory_space<vmem>>) dst(%dma_wait3A_608 : memref<26x16xf32, #tpu.memory_space<hbm>>)
      %dma_wait3A_612 = arith.constant 130 : i32
      %dma_wait3A_613 = arith.constant 0 : i32
      %dma_wait3A_614 = tpu.memref_slice %arg7[%dma_wait3A_612, %dma_wait3A_613] : memref<416x16xf32, #tpu.memory_space<vmem>> -> memref<26x16xf32, #tpu.memory_space<vmem>>
      %dma_wait3A_615 = arith.constant 0 : i32
      %dma_wait3A_616 = arith.constant 0 : i32
      %dma_wait3A_617 = tpu.memref_slice %arg4[%add3A_108, %dma_wait3A_615, %dma_wait3A_616] : memref<16384x32x128xf32, #tpu.memory_space<hbm>> -> memref<1x26x16xf32, #tpu.memory_space<hbm>>
      %dma_wait3A_618 = tpu.memref_squeeze %dma_wait3A_617 : memref<1x26x16xf32, #tpu.memory_space<hbm>> -> memref<26x16xf32, #tpu.memory_space<hbm>>
      %dma_wait3A_619 = arith.constant 0 : i32
      %dma_wait3A_620 = arith.constant 0 : i32
      %dma_wait3A_621 = tpu.memref_slice %arg4[%add3A_108, %dma_wait3A_619, %dma_wait3A_620] : memref<16384x32x128xf32, #tpu.memory_space<hbm>> -> memref<1x26x16xf32, #tpu.memory_space<hbm>>
      %dma_wait3A_622 = tpu.memref_squeeze %dma_wait3A_621 : memref<1x26x16xf32, #tpu.memory_space<hbm>> -> memref<26x16xf32, #tpu.memory_space<hbm>>
      %dma_wait3A_623 = arith.constant 130 : i32
      %dma_wait3A_624 = arith.constant 0 : i32
      %dma_wait3A_625 = tpu.memref_slice %arg7[%dma_wait3A_623, %dma_wait3A_624] : memref<416x16xf32, #tpu.memory_space<vmem>> -> memref<26x16xf32, #tpu.memory_space<vmem>>
      tpu.wait_dma2 semaphore(%arg11 : memref<!tpu.dma_semaphore, #tpu.memory_space<semaphore_mem>>) src(%dma_wait3A_625 : memref<26x16xf32, #tpu.memory_space<vmem>>) dst(%dma_wait3A_622 : memref<26x16xf32, #tpu.memory_space<hbm>>)
      %dma_wait3A_626 = arith.constant 156 : i32
      %dma_wait3A_627 = arith.constant 0 : i32
      %dma_wait3A_628 = tpu.memref_slice %arg7[%dma_wait3A_626, %dma_wait3A_627] : memref<416x16xf32, #tpu.memory_space<vmem>> -> memref<26x16xf32, #tpu.memory_space<vmem>>
      %dma_wait3A_629 = arith.constant 0 : i32
      %dma_wait3A_630 = arith.constant 0 : i32
      %dma_wait3A_631 = tpu.memref_slice %arg4[%add3A_124, %dma_wait3A_629, %dma_wait3A_630] : memref<16384x32x128xf32, #tpu.memory_space<hbm>> -> memref<1x26x16xf32, #tpu.memory_space<hbm>>
      %dma_wait3A_632 = tpu.memref_squeeze %dma_wait3A_631 : memref<1x26x16xf32, #tpu.memory_space<hbm>> -> memref<26x16xf32, #tpu.memory_space<hbm>>
      %dma_wait3A_633 = arith.constant 0 : i32
      %dma_wait3A_634 = arith.constant 0 : i32
      %dma_wait3A_635 = tpu.memref_slice %arg4[%add3A_124, %dma_wait3A_633, %dma_wait3A_634] : memref<16384x32x128xf32, #tpu.memory_space<hbm>> -> memref<1x26x16xf32, #tpu.memory_space<hbm>>
      %dma_wait3A_636 = tpu.memref_squeeze %dma_wait3A_635 : memref<1x26x16xf32, #tpu.memory_space<hbm>> -> memref<26x16xf32, #tpu.memory_space<hbm>>
      %dma_wait3A_637 = arith.constant 156 : i32
      %dma_wait3A_638 = arith.constant 0 : i32
      %dma_wait3A_639 = tpu.memref_slice %arg7[%dma_wait3A_637, %dma_wait3A_638] : memref<416x16xf32, #tpu.memory_space<vmem>> -> memref<26x16xf32, #tpu.memory_space<vmem>>
      tpu.wait_dma2 semaphore(%arg11 : memref<!tpu.dma_semaphore, #tpu.memory_space<semaphore_mem>>) src(%dma_wait3A_639 : memref<26x16xf32, #tpu.memory_space<vmem>>) dst(%dma_wait3A_636 : memref<26x16xf32, #tpu.memory_space<hbm>>)
      %dma_wait3A_640 = arith.constant 182 : i32
      %dma_wait3A_641 = arith.constant 0 : i32
      %dma_wait3A_642 = tpu.memref_slice %arg7[%dma_wait3A_640, %dma_wait3A_641] : memref<416x16xf32, #tpu.memory_space<vmem>> -> memref<26x16xf32, #tpu.memory_space<vmem>>
      %dma_wait3A_643 = arith.constant 0 : i32
      %dma_wait3A_644 = arith.constant 0 : i32
      %dma_wait3A_645 = tpu.memref_slice %arg4[%add3A_140, %dma_wait3A_643, %dma_wait3A_644] : memref<16384x32x128xf32, #tpu.memory_space<hbm>> -> memref<1x26x16xf32, #tpu.memory_space<hbm>>
      %dma_wait3A_646 = tpu.memref_squeeze %dma_wait3A_645 : memref<1x26x16xf32, #tpu.memory_space<hbm>> -> memref<26x16xf32, #tpu.memory_space<hbm>>
      %dma_wait3A_647 = arith.constant 0 : i32
      %dma_wait3A_648 = arith.constant 0 : i32
      %dma_wait3A_649 = tpu.memref_slice %arg4[%add3A_140, %dma_wait3A_647, %dma_wait3A_648] : memref<16384x32x128xf32, #tpu.memory_space<hbm>> -> memref<1x26x16xf32, #tpu.memory_space<hbm>>
      %dma_wait3A_650 = tpu.memref_squeeze %dma_wait3A_649 : memref<1x26x16xf32, #tpu.memory_space<hbm>> -> memref<26x16xf32, #tpu.memory_space<hbm>>
      %dma_wait3A_651 = arith.constant 182 : i32
      %dma_wait3A_652 = arith.constant 0 : i32
      %dma_wait3A_653 = tpu.memref_slice %arg7[%dma_wait3A_651, %dma_wait3A_652] : memref<416x16xf32, #tpu.memory_space<vmem>> -> memref<26x16xf32, #tpu.memory_space<vmem>>
      tpu.wait_dma2 semaphore(%arg11 : memref<!tpu.dma_semaphore, #tpu.memory_space<semaphore_mem>>) src(%dma_wait3A_653 : memref<26x16xf32, #tpu.memory_space<vmem>>) dst(%dma_wait3A_650 : memref<26x16xf32, #tpu.memory_space<hbm>>)
      %dma_wait3A_654 = arith.constant 208 : i32
      %dma_wait3A_655 = arith.constant 0 : i32
      %dma_wait3A_656 = tpu.memref_slice %arg7[%dma_wait3A_654, %dma_wait3A_655] : memref<416x16xf32, #tpu.memory_space<vmem>> -> memref<26x16xf32, #tpu.memory_space<vmem>>
      %dma_wait3A_657 = arith.constant 0 : i32
      %dma_wait3A_658 = arith.constant 0 : i32
      %dma_wait3A_659 = tpu.memref_slice %arg4[%add3A_156, %dma_wait3A_657, %dma_wait3A_658] : memref<16384x32x128xf32, #tpu.memory_space<hbm>> -> memref<1x26x16xf32, #tpu.memory_space<hbm>>
      %dma_wait3A_660 = tpu.memref_squeeze %dma_wait3A_659 : memref<1x26x16xf32, #tpu.memory_space<hbm>> -> memref<26x16xf32, #tpu.memory_space<hbm>>
      %dma_wait3A_661 = arith.constant 0 : i32
      %dma_wait3A_662 = arith.constant 0 : i32
      %dma_wait3A_663 = tpu.memref_slice %arg4[%add3A_156, %dma_wait3A_661, %dma_wait3A_662] : memref<16384x32x128xf32, #tpu.memory_space<hbm>> -> memref<1x26x16xf32, #tpu.memory_space<hbm>>
      %dma_wait3A_664 = tpu.memref_squeeze %dma_wait3A_663 : memref<1x26x16xf32, #tpu.memory_space<hbm>> -> memref<26x16xf32, #tpu.memory_space<hbm>>
      %dma_wait3A_665 = arith.constant 208 : i32
      %dma_wait3A_666 = arith.constant 0 : i32
      %dma_wait3A_667 = tpu.memref_slice %arg7[%dma_wait3A_665, %dma_wait3A_666] : memref<416x16xf32, #tpu.memory_space<vmem>> -> memref<26x16xf32, #tpu.memory_space<vmem>>
      tpu.wait_dma2 semaphore(%arg11 : memref<!tpu.dma_semaphore, #tpu.memory_space<semaphore_mem>>) src(%dma_wait3A_667 : memref<26x16xf32, #tpu.memory_space<vmem>>) dst(%dma_wait3A_664 : memref<26x16xf32, #tpu.memory_space<hbm>>)
      %dma_wait3A_668 = arith.constant 234 : i32
      %dma_wait3A_669 = arith.constant 0 : i32
      %dma_wait3A_670 = tpu.memref_slice %arg7[%dma_wait3A_668, %dma_wait3A_669] : memref<416x16xf32, #tpu.memory_space<vmem>> -> memref<26x16xf32, #tpu.memory_space<vmem>>
      %dma_wait3A_671 = arith.constant 0 : i32
      %dma_wait3A_672 = arith.constant 0 : i32
      %dma_wait3A_673 = tpu.memref_slice %arg4[%add3A_172, %dma_wait3A_671, %dma_wait3A_672] : memref<16384x32x128xf32, #tpu.memory_space<hbm>> -> memref<1x26x16xf32, #tpu.memory_space<hbm>>
      %dma_wait3A_674 = tpu.memref_squeeze %dma_wait3A_673 : memref<1x26x16xf32, #tpu.memory_space<hbm>> -> memref<26x16xf32, #tpu.memory_space<hbm>>
      %dma_wait3A_675 = arith.constant 0 : i32
      %dma_wait3A_676 = arith.constant 0 : i32
      %dma_wait3A_677 = tpu.memref_slice %arg4[%add3A_172, %dma_wait3A_675, %dma_wait3A_676] : memref<16384x32x128xf32, #tpu.memory_space<hbm>> -> memref<1x26x16xf32, #tpu.memory_space<hbm>>
      %dma_wait3A_678 = tpu.memref_squeeze %dma_wait3A_677 : memref<1x26x16xf32, #tpu.memory_space<hbm>> -> memref<26x16xf32, #tpu.memory_space<hbm>>
      %dma_wait3A_679 = arith.constant 234 : i32
      %dma_wait3A_680 = arith.constant 0 : i32
      %dma_wait3A_681 = tpu.memref_slice %arg7[%dma_wait3A_679, %dma_wait3A_680] : memref<416x16xf32, #tpu.memory_space<vmem>> -> memref<26x16xf32, #tpu.memory_space<vmem>>
      tpu.wait_dma2 semaphore(%arg11 : memref<!tpu.dma_semaphore, #tpu.memory_space<semaphore_mem>>) src(%dma_wait3A_681 : memref<26x16xf32, #tpu.memory_space<vmem>>) dst(%dma_wait3A_678 : memref<26x16xf32, #tpu.memory_space<hbm>>)
      %dma_wait3A_682 = arith.constant 260 : i32
      %dma_wait3A_683 = arith.constant 0 : i32
      %dma_wait3A_684 = tpu.memref_slice %arg7[%dma_wait3A_682, %dma_wait3A_683] : memref<416x16xf32, #tpu.memory_space<vmem>> -> memref<26x16xf32, #tpu.memory_space<vmem>>
      %dma_wait3A_685 = arith.constant 0 : i32
      %dma_wait3A_686 = arith.constant 0 : i32
      %dma_wait3A_687 = tpu.memref_slice %arg4[%add3A_188, %dma_wait3A_685, %dma_wait3A_686] : memref<16384x32x128xf32, #tpu.memory_space<hbm>> -> memref<1x26x16xf32, #tpu.memory_space<hbm>>
      %dma_wait3A_688 = tpu.memref_squeeze %dma_wait3A_687 : memref<1x26x16xf32, #tpu.memory_space<hbm>> -> memref<26x16xf32, #tpu.memory_space<hbm>>
      %dma_wait3A_689 = arith.constant 0 : i32
      %dma_wait3A_690 = arith.constant 0 : i32
      %dma_wait3A_691 = tpu.memref_slice %arg4[%add3A_188, %dma_wait3A_689, %dma_wait3A_690] : memref<16384x32x128xf32, #tpu.memory_space<hbm>> -> memref<1x26x16xf32, #tpu.memory_space<hbm>>
      %dma_wait3A_692 = tpu.memref_squeeze %dma_wait3A_691 : memref<1x26x16xf32, #tpu.memory_space<hbm>> -> memref<26x16xf32, #tpu.memory_space<hbm>>
      %dma_wait3A_693 = arith.constant 260 : i32
      %dma_wait3A_694 = arith.constant 0 : i32
      %dma_wait3A_695 = tpu.memref_slice %arg7[%dma_wait3A_693, %dma_wait3A_694] : memref<416x16xf32, #tpu.memory_space<vmem>> -> memref<26x16xf32, #tpu.memory_space<vmem>>
      tpu.wait_dma2 semaphore(%arg11 : memref<!tpu.dma_semaphore, #tpu.memory_space<semaphore_mem>>) src(%dma_wait3A_695 : memref<26x16xf32, #tpu.memory_space<vmem>>) dst(%dma_wait3A_692 : memref<26x16xf32, #tpu.memory_space<hbm>>)
      %dma_wait3A_696 = arith.constant 286 : i32
      %dma_wait3A_697 = arith.constant 0 : i32
      %dma_wait3A_698 = tpu.memref_slice %arg7[%dma_wait3A_696, %dma_wait3A_697] : memref<416x16xf32, #tpu.memory_space<vmem>> -> memref<26x16xf32, #tpu.memory_space<vmem>>
      %dma_wait3A_699 = arith.constant 0 : i32
      %dma_wait3A_700 = arith.constant 0 : i32
      %dma_wait3A_701 = tpu.memref_slice %arg4[%add3A_204, %dma_wait3A_699, %dma_wait3A_700] : memref<16384x32x128xf32, #tpu.memory_space<hbm>> -> memref<1x26x16xf32, #tpu.memory_space<hbm>>
      %dma_wait3A_702 = tpu.memref_squeeze %dma_wait3A_701 : memref<1x26x16xf32, #tpu.memory_space<hbm>> -> memref<26x16xf32, #tpu.memory_space<hbm>>
      %dma_wait3A_703 = arith.constant 0 : i32
      %dma_wait3A_704 = arith.constant 0 : i32
      %dma_wait3A_705 = tpu.memref_slice %arg4[%add3A_204, %dma_wait3A_703, %dma_wait3A_704] : memref<16384x32x128xf32, #tpu.memory_space<hbm>> -> memref<1x26x16xf32, #tpu.memory_space<hbm>>
      %dma_wait3A_706 = tpu.memref_squeeze %dma_wait3A_705 : memref<1x26x16xf32, #tpu.memory_space<hbm>> -> memref<26x16xf32, #tpu.memory_space<hbm>>
      %dma_wait3A_707 = arith.constant 286 : i32
      %dma_wait3A_708 = arith.constant 0 : i32
      %dma_wait3A_709 = tpu.memref_slice %arg7[%dma_wait3A_707, %dma_wait3A_708] : memref<416x16xf32, #tpu.memory_space<vmem>> -> memref<26x16xf32, #tpu.memory_space<vmem>>
      tpu.wait_dma2 semaphore(%arg11 : memref<!tpu.dma_semaphore, #tpu.memory_space<semaphore_mem>>) src(%dma_wait3A_709 : memref<26x16xf32, #tpu.memory_space<vmem>>) dst(%dma_wait3A_706 : memref<26x16xf32, #tpu.memory_space<hbm>>)
      %dma_wait3A_710 = arith.constant 312 : i32
      %dma_wait3A_711 = arith.constant 0 : i32
      %dma_wait3A_712 = tpu.memref_slice %arg7[%dma_wait3A_710, %dma_wait3A_711] : memref<416x16xf32, #tpu.memory_space<vmem>> -> memref<26x16xf32, #tpu.memory_space<vmem>>
      %dma_wait3A_713 = arith.constant 0 : i32
      %dma_wait3A_714 = arith.constant 0 : i32
      %dma_wait3A_715 = tpu.memref_slice %arg4[%add3A_220, %dma_wait3A_713, %dma_wait3A_714] : memref<16384x32x128xf32, #tpu.memory_space<hbm>> -> memref<1x26x16xf32, #tpu.memory_space<hbm>>
      %dma_wait3A_716 = tpu.memref_squeeze %dma_wait3A_715 : memref<1x26x16xf32, #tpu.memory_space<hbm>> -> memref<26x16xf32, #tpu.memory_space<hbm>>
      %dma_wait3A_717 = arith.constant 0 : i32
      %dma_wait3A_718 = arith.constant 0 : i32
      %dma_wait3A_719 = tpu.memref_slice %arg4[%add3A_220, %dma_wait3A_717, %dma_wait3A_718] : memref<16384x32x128xf32, #tpu.memory_space<hbm>> -> memref<1x26x16xf32, #tpu.memory_space<hbm>>
      %dma_wait3A_720 = tpu.memref_squeeze %dma_wait3A_719 : memref<1x26x16xf32, #tpu.memory_space<hbm>> -> memref<26x16xf32, #tpu.memory_space<hbm>>
      %dma_wait3A_721 = arith.constant 312 : i32
      %dma_wait3A_722 = arith.constant 0 : i32
      %dma_wait3A_723 = tpu.memref_slice %arg7[%dma_wait3A_721, %dma_wait3A_722] : memref<416x16xf32, #tpu.memory_space<vmem>> -> memref<26x16xf32, #tpu.memory_space<vmem>>
      tpu.wait_dma2 semaphore(%arg11 : memref<!tpu.dma_semaphore, #tpu.memory_space<semaphore_mem>>) src(%dma_wait3A_723 : memref<26x16xf32, #tpu.memory_space<vmem>>) dst(%dma_wait3A_720 : memref<26x16xf32, #tpu.memory_space<hbm>>)
      %dma_wait3A_724 = arith.constant 338 : i32
      %dma_wait3A_725 = arith.constant 0 : i32
      %dma_wait3A_726 = tpu.memref_slice %arg7[%dma_wait3A_724, %dma_wait3A_725] : memref<416x16xf32, #tpu.memory_space<vmem>> -> memref<26x16xf32, #tpu.memory_space<vmem>>
      %dma_wait3A_727 = arith.constant 0 : i32
      %dma_wait3A_728 = arith.constant 0 : i32
      %dma_wait3A_729 = tpu.memref_slice %arg4[%add3A_236, %dma_wait3A_727, %dma_wait3A_728] : memref<16384x32x128xf32, #tpu.memory_space<hbm>> -> memref<1x26x16xf32, #tpu.memory_space<hbm>>
      %dma_wait3A_730 = tpu.memref_squeeze %dma_wait3A_729 : memref<1x26x16xf32, #tpu.memory_space<hbm>> -> memref<26x16xf32, #tpu.memory_space<hbm>>
      %dma_wait3A_731 = arith.constant 0 : i32
      %dma_wait3A_732 = arith.constant 0 : i32
      %dma_wait3A_733 = tpu.memref_slice %arg4[%add3A_236, %dma_wait3A_731, %dma_wait3A_732] : memref<16384x32x128xf32, #tpu.memory_space<hbm>> -> memref<1x26x16xf32, #tpu.memory_space<hbm>>
      %dma_wait3A_734 = tpu.memref_squeeze %dma_wait3A_733 : memref<1x26x16xf32, #tpu.memory_space<hbm>> -> memref<26x16xf32, #tpu.memory_space<hbm>>
      %dma_wait3A_735 = arith.constant 338 : i32
      %dma_wait3A_736 = arith.constant 0 : i32
      %dma_wait3A_737 = tpu.memref_slice %arg7[%dma_wait3A_735, %dma_wait3A_736] : memref<416x16xf32, #tpu.memory_space<vmem>> -> memref<26x16xf32, #tpu.memory_space<vmem>>
      tpu.wait_dma2 semaphore(%arg11 : memref<!tpu.dma_semaphore, #tpu.memory_space<semaphore_mem>>) src(%dma_wait3A_737 : memref<26x16xf32, #tpu.memory_space<vmem>>) dst(%dma_wait3A_734 : memref<26x16xf32, #tpu.memory_space<hbm>>)
      %dma_wait3A_738 = arith.constant 364 : i32
      %dma_wait3A_739 = arith.constant 0 : i32
      %dma_wait3A_740 = tpu.memref_slice %arg7[%dma_wait3A_738, %dma_wait3A_739] : memref<416x16xf32, #tpu.memory_space<vmem>> -> memref<26x16xf32, #tpu.memory_space<vmem>>
      %dma_wait3A_741 = arith.constant 0 : i32
      %dma_wait3A_742 = arith.constant 0 : i32
      %dma_wait3A_743 = tpu.memref_slice %arg4[%add3A_252, %dma_wait3A_741, %dma_wait3A_742] : memref<16384x32x128xf32, #tpu.memory_space<hbm>> -> memref<1x26x16xf32, #tpu.memory_space<hbm>>
      %dma_wait3A_744 = tpu.memref_squeeze %dma_wait3A_743 : memref<1x26x16xf32, #tpu.memory_space<hbm>> -> memref<26x16xf32, #tpu.memory_space<hbm>>
      %dma_wait3A_745 = arith.constant 0 : i32
      %dma_wait3A_746 = arith.constant 0 : i32
      %dma_wait3A_747 = tpu.memref_slice %arg4[%add3A_252, %dma_wait3A_745, %dma_wait3A_746] : memref<16384x32x128xf32, #tpu.memory_space<hbm>> -> memref<1x26x16xf32, #tpu.memory_space<hbm>>
      %dma_wait3A_748 = tpu.memref_squeeze %dma_wait3A_747 : memref<1x26x16xf32, #tpu.memory_space<hbm>> -> memref<26x16xf32, #tpu.memory_space<hbm>>
      %dma_wait3A_749 = arith.constant 364 : i32
      %dma_wait3A_750 = arith.constant 0 : i32
      %dma_wait3A_751 = tpu.memref_slice %arg7[%dma_wait3A_749, %dma_wait3A_750] : memref<416x16xf32, #tpu.memory_space<vmem>> -> memref<26x16xf32, #tpu.memory_space<vmem>>
      tpu.wait_dma2 semaphore(%arg11 : memref<!tpu.dma_semaphore, #tpu.memory_space<semaphore_mem>>) src(%dma_wait3A_751 : memref<26x16xf32, #tpu.memory_space<vmem>>) dst(%dma_wait3A_748 : memref<26x16xf32, #tpu.memory_space<hbm>>)
      %dma_wait3A_752 = arith.constant 390 : i32
      %dma_wait3A_753 = arith.constant 0 : i32
      %dma_wait3A_754 = tpu.memref_slice %arg7[%dma_wait3A_752, %dma_wait3A_753] : memref<416x16xf32, #tpu.memory_space<vmem>> -> memref<26x16xf32, #tpu.memory_space<vmem>>
      %dma_wait3A_755 = arith.constant 0 : i32
      %dma_wait3A_756 = arith.constant 0 : i32
      %dma_wait3A_757 = tpu.memref_slice %arg4[%add3A_268, %dma_wait3A_755, %dma_wait3A_756] : memref<16384x32x128xf32, #tpu.memory_space<hbm>> -> memref<1x26x16xf32, #tpu.memory_space<hbm>>
      %dma_wait3A_758 = tpu.memref_squeeze %dma_wait3A_757 : memref<1x26x16xf32, #tpu.memory_space<hbm>> -> memref<26x16xf32, #tpu.memory_space<hbm>>
      %dma_wait3A_759 = arith.constant 0 : i32
      %dma_wait3A_760 = arith.constant 0 : i32
      %dma_wait3A_761 = tpu.memref_slice %arg4[%add3A_268, %dma_wait3A_759, %dma_wait3A_760] : memref<16384x32x128xf32, #tpu.memory_space<hbm>> -> memref<1x26x16xf32, #tpu.memory_space<hbm>>
      %dma_wait3A_762 = tpu.memref_squeeze %dma_wait3A_761 : memref<1x26x16xf32, #tpu.memory_space<hbm>> -> memref<26x16xf32, #tpu.memory_space<hbm>>
      %dma_wait3A_763 = arith.constant 390 : i32
      %dma_wait3A_764 = arith.constant 0 : i32
      %dma_wait3A_765 = tpu.memref_slice %arg7[%dma_wait3A_763, %dma_wait3A_764] : memref<416x16xf32, #tpu.memory_space<vmem>> -> memref<26x16xf32, #tpu.memory_space<vmem>>
      tpu.wait_dma2 semaphore(%arg11 : memref<!tpu.dma_semaphore, #tpu.memory_space<semaphore_mem>>) src(%dma_wait3A_765 : memref<26x16xf32, #tpu.memory_space<vmem>>) dst(%dma_wait3A_762 : memref<26x16xf32, #tpu.memory_space<hbm>>)
      %dma_wait3A_766 = arith.constant 0 : i32
      %dma_wait3A_767 = arith.constant 0 : i32
      %dma_wait3A_768 = tpu.memref_slice %arg8[%dma_wait3A_766, %dma_wait3A_767] : memref<416x16xf32, #tpu.memory_space<vmem>> -> memref<26x16xf32, #tpu.memory_space<vmem>>
      %dma_wait3A_769 = arith.constant 0 : i32
      %dma_wait3A_770 = arith.constant 0 : i32
      %dma_wait3A_771 = tpu.memref_slice %arg4[%add3A_287, %dma_wait3A_769, %dma_wait3A_770] : memref<16384x32x128xf32, #tpu.memory_space<hbm>> -> memref<1x26x16xf32, #tpu.memory_space<hbm>>
      %dma_wait3A_772 = tpu.memref_squeeze %dma_wait3A_771 : memref<1x26x16xf32, #tpu.memory_space<hbm>> -> memref<26x16xf32, #tpu.memory_space<hbm>>
      %dma_wait3A_773 = arith.constant 0 : i32
      %dma_wait3A_774 = arith.constant 0 : i32
      %dma_wait3A_775 = tpu.memref_slice %arg4[%add3A_287, %dma_wait3A_773, %dma_wait3A_774] : memref<16384x32x128xf32, #tpu.memory_space<hbm>> -> memref<1x26x16xf32, #tpu.memory_space<hbm>>
      %dma_wait3A_776 = tpu.memref_squeeze %dma_wait3A_775 : memref<1x26x16xf32, #tpu.memory_space<hbm>> -> memref<26x16xf32, #tpu.memory_space<hbm>>
      %dma_wait3A_777 = arith.constant 0 : i32
      %dma_wait3A_778 = arith.constant 0 : i32
      %dma_wait3A_779 = tpu.memref_slice %arg8[%dma_wait3A_777, %dma_wait3A_778] : memref<416x16xf32, #tpu.memory_space<vmem>> -> memref<26x16xf32, #tpu.memory_space<vmem>>
      tpu.wait_dma2 semaphore(%arg11 : memref<!tpu.dma_semaphore, #tpu.memory_space<semaphore_mem>>) src(%dma_wait3A_779 : memref<26x16xf32, #tpu.memory_space<vmem>>) dst(%dma_wait3A_776 : memref<26x16xf32, #tpu.memory_space<hbm>>)
      %dma_wait3A_780 = arith.constant 26 : i32
      %dma_wait3A_781 = arith.constant 0 : i32
      %dma_wait3A_782 = tpu.memref_slice %arg8[%dma_wait3A_780, %dma_wait3A_781] : memref<416x16xf32, #tpu.memory_space<vmem>> -> memref<26x16xf32, #tpu.memory_space<vmem>>
      %dma_wait3A_783 = arith.constant 0 : i32
      %dma_wait3A_784 = arith.constant 0 : i32
      %dma_wait3A_785 = tpu.memref_slice %arg4[%add3A_303, %dma_wait3A_783, %dma_wait3A_784] : memref<16384x32x128xf32, #tpu.memory_space<hbm>> -> memref<1x26x16xf32, #tpu.memory_space<hbm>>
      %dma_wait3A_786 = tpu.memref_squeeze %dma_wait3A_785 : memref<1x26x16xf32, #tpu.memory_space<hbm>> -> memref<26x16xf32, #tpu.memory_space<hbm>>
      %dma_wait3A_787 = arith.constant 0 : i32
      %dma_wait3A_788 = arith.constant 0 : i32
      %dma_wait3A_789 = tpu.memref_slice %arg4[%add3A_303, %dma_wait3A_787, %dma_wait3A_788] : memref<16384x32x128xf32, #tpu.memory_space<hbm>> -> memref<1x26x16xf32, #tpu.memory_space<hbm>>
      %dma_wait3A_790 = tpu.memref_squeeze %dma_wait3A_789 : memref<1x26x16xf32, #tpu.memory_space<hbm>> -> memref<26x16xf32, #tpu.memory_space<hbm>>
      %dma_wait3A_791 = arith.constant 26 : i32
      %dma_wait3A_792 = arith.constant 0 : i32
      %dma_wait3A_793 = tpu.memref_slice %arg8[%dma_wait3A_791, %dma_wait3A_792] : memref<416x16xf32, #tpu.memory_space<vmem>> -> memref<26x16xf32, #tpu.memory_space<vmem>>
      tpu.wait_dma2 semaphore(%arg11 : memref<!tpu.dma_semaphore, #tpu.memory_space<semaphore_mem>>) src(%dma_wait3A_793 : memref<26x16xf32, #tpu.memory_space<vmem>>) dst(%dma_wait3A_790 : memref<26x16xf32, #tpu.memory_space<hbm>>)
      %dma_wait3A_794 = arith.constant 52 : i32
      %dma_wait3A_795 = arith.constant 0 : i32
      %dma_wait3A_796 = tpu.memref_slice %arg8[%dma_wait3A_794, %dma_wait3A_795] : memref<416x16xf32, #tpu.memory_space<vmem>> -> memref<26x16xf32, #tpu.memory_space<vmem>>
      %dma_wait3A_797 = arith.constant 0 : i32
      %dma_wait3A_798 = arith.constant 0 : i32
      %dma_wait3A_799 = tpu.memref_slice %arg4[%add3A_319, %dma_wait3A_797, %dma_wait3A_798] : memref<16384x32x128xf32, #tpu.memory_space<hbm>> -> memref<1x26x16xf32, #tpu.memory_space<hbm>>
      %dma_wait3A_800 = tpu.memref_squeeze %dma_wait3A_799 : memref<1x26x16xf32, #tpu.memory_space<hbm>> -> memref<26x16xf32, #tpu.memory_space<hbm>>
      %dma_wait3A_801 = arith.constant 0 : i32
      %dma_wait3A_802 = arith.constant 0 : i32
      %dma_wait3A_803 = tpu.memref_slice %arg4[%add3A_319, %dma_wait3A_801, %dma_wait3A_802] : memref<16384x32x128xf32, #tpu.memory_space<hbm>> -> memref<1x26x16xf32, #tpu.memory_space<hbm>>
      %dma_wait3A_804 = tpu.memref_squeeze %dma_wait3A_803 : memref<1x26x16xf32, #tpu.memory_space<hbm>> -> memref<26x16xf32, #tpu.memory_space<hbm>>
      %dma_wait3A_805 = arith.constant 52 : i32
      %dma_wait3A_806 = arith.constant 0 : i32
      %dma_wait3A_807 = tpu.memref_slice %arg8[%dma_wait3A_805, %dma_wait3A_806] : memref<416x16xf32, #tpu.memory_space<vmem>> -> memref<26x16xf32, #tpu.memory_space<vmem>>
      tpu.wait_dma2 semaphore(%arg11 : memref<!tpu.dma_semaphore, #tpu.memory_space<semaphore_mem>>) src(%dma_wait3A_807 : memref<26x16xf32, #tpu.memory_space<vmem>>) dst(%dma_wait3A_804 : memref<26x16xf32, #tpu.memory_space<hbm>>)
      %dma_wait3A_808 = arith.constant 78 : i32
      %dma_wait3A_809 = arith.constant 0 : i32
      %dma_wait3A_810 = tpu.memref_slice %arg8[%dma_wait3A_808, %dma_wait3A_809] : memref<416x16xf32, #tpu.memory_space<vmem>> -> memref<26x16xf32, #tpu.memory_space<vmem>>
      %dma_wait3A_811 = arith.constant 0 : i32
      %dma_wait3A_812 = arith.constant 0 : i32
      %dma_wait3A_813 = tpu.memref_slice %arg4[%add3A_335, %dma_wait3A_811, %dma_wait3A_812] : memref<16384x32x128xf32, #tpu.memory_space<hbm>> -> memref<1x26x16xf32, #tpu.memory_space<hbm>>
      %dma_wait3A_814 = tpu.memref_squeeze %dma_wait3A_813 : memref<1x26x16xf32, #tpu.memory_space<hbm>> -> memref<26x16xf32, #tpu.memory_space<hbm>>
      %dma_wait3A_815 = arith.constant 0 : i32
      %dma_wait3A_816 = arith.constant 0 : i32
      %dma_wait3A_817 = tpu.memref_slice %arg4[%add3A_335, %dma_wait3A_815, %dma_wait3A_816] : memref<16384x32x128xf32, #tpu.memory_space<hbm>> -> memref<1x26x16xf32, #tpu.memory_space<hbm>>
      %dma_wait3A_818 = tpu.memref_squeeze %dma_wait3A_817 : memref<1x26x16xf32, #tpu.memory_space<hbm>> -> memref<26x16xf32, #tpu.memory_space<hbm>>
      %dma_wait3A_819 = arith.constant 78 : i32
      %dma_wait3A_820 = arith.constant 0 : i32
      %dma_wait3A_821 = tpu.memref_slice %arg8[%dma_wait3A_819, %dma_wait3A_820] : memref<416x16xf32, #tpu.memory_space<vmem>> -> memref<26x16xf32, #tpu.memory_space<vmem>>
      tpu.wait_dma2 semaphore(%arg11 : memref<!tpu.dma_semaphore, #tpu.memory_space<semaphore_mem>>) src(%dma_wait3A_821 : memref<26x16xf32, #tpu.memory_space<vmem>>) dst(%dma_wait3A_818 : memref<26x16xf32, #tpu.memory_space<hbm>>)
      %dma_wait3A_822 = arith.constant 104 : i32
      %dma_wait3A_823 = arith.constant 0 : i32
      %dma_wait3A_824 = tpu.memref_slice %arg8[%dma_wait3A_822, %dma_wait3A_823] : memref<416x16xf32, #tpu.memory_space<vmem>> -> memref<26x16xf32, #tpu.memory_space<vmem>>
      %dma_wait3A_825 = arith.constant 0 : i32
      %dma_wait3A_826 = arith.constant 0 : i32
      %dma_wait3A_827 = tpu.memref_slice %arg4[%add3A_351, %dma_wait3A_825, %dma_wait3A_826] : memref<16384x32x128xf32, #tpu.memory_space<hbm>> -> memref<1x26x16xf32, #tpu.memory_space<hbm>>
      %dma_wait3A_828 = tpu.memref_squeeze %dma_wait3A_827 : memref<1x26x16xf32, #tpu.memory_space<hbm>> -> memref<26x16xf32, #tpu.memory_space<hbm>>
      %dma_wait3A_829 = arith.constant 0 : i32
      %dma_wait3A_830 = arith.constant 0 : i32
      %dma_wait3A_831 = tpu.memref_slice %arg4[%add3A_351, %dma_wait3A_829, %dma_wait3A_830] : memref<16384x32x128xf32, #tpu.memory_space<hbm>> -> memref<1x26x16xf32, #tpu.memory_space<hbm>>
      %dma_wait3A_832 = tpu.memref_squeeze %dma_wait3A_831 : memref<1x26x16xf32, #tpu.memory_space<hbm>> -> memref<26x16xf32, #tpu.memory_space<hbm>>
      %dma_wait3A_833 = arith.constant 104 : i32
      %dma_wait3A_834 = arith.constant 0 : i32
      %dma_wait3A_835 = tpu.memref_slice %arg8[%dma_wait3A_833, %dma_wait3A_834] : memref<416x16xf32, #tpu.memory_space<vmem>> -> memref<26x16xf32, #tpu.memory_space<vmem>>
      tpu.wait_dma2 semaphore(%arg11 : memref<!tpu.dma_semaphore, #tpu.memory_space<semaphore_mem>>) src(%dma_wait3A_835 : memref<26x16xf32, #tpu.memory_space<vmem>>) dst(%dma_wait3A_832 : memref<26x16xf32, #tpu.memory_space<hbm>>)
      %dma_wait3A_836 = arith.constant 130 : i32
      %dma_wait3A_837 = arith.constant 0 : i32
      %dma_wait3A_838 = tpu.memref_slice %arg8[%dma_wait3A_836, %dma_wait3A_837] : memref<416x16xf32, #tpu.memory_space<vmem>> -> memref<26x16xf32, #tpu.memory_space<vmem>>
      %dma_wait3A_839 = arith.constant 0 : i32
      %dma_wait3A_840 = arith.constant 0 : i32
      %dma_wait3A_841 = tpu.memref_slice %arg4[%add3A_367, %dma_wait3A_839, %dma_wait3A_840] : memref<16384x32x128xf32, #tpu.memory_space<hbm>> -> memref<1x26x16xf32, #tpu.memory_space<hbm>>
      %dma_wait3A_842 = tpu.memref_squeeze %dma_wait3A_841 : memref<1x26x16xf32, #tpu.memory_space<hbm>> -> memref<26x16xf32, #tpu.memory_space<hbm>>
      %dma_wait3A_843 = arith.constant 0 : i32
      %dma_wait3A_844 = arith.constant 0 : i32
      %dma_wait3A_845 = tpu.memref_slice %arg4[%add3A_367, %dma_wait3A_843, %dma_wait3A_844] : memref<16384x32x128xf32, #tpu.memory_space<hbm>> -> memref<1x26x16xf32, #tpu.memory_space<hbm>>
      %dma_wait3A_846 = tpu.memref_squeeze %dma_wait3A_845 : memref<1x26x16xf32, #tpu.memory_space<hbm>> -> memref<26x16xf32, #tpu.memory_space<hbm>>
      %dma_wait3A_847 = arith.constant 130 : i32
      %dma_wait3A_848 = arith.constant 0 : i32
      %dma_wait3A_849 = tpu.memref_slice %arg8[%dma_wait3A_847, %dma_wait3A_848] : memref<416x16xf32, #tpu.memory_space<vmem>> -> memref<26x16xf32, #tpu.memory_space<vmem>>
      tpu.wait_dma2 semaphore(%arg11 : memref<!tpu.dma_semaphore, #tpu.memory_space<semaphore_mem>>) src(%dma_wait3A_849 : memref<26x16xf32, #tpu.memory_space<vmem>>) dst(%dma_wait3A_846 : memref<26x16xf32, #tpu.memory_space<hbm>>)
      %dma_wait3A_850 = arith.constant 156 : i32
      %dma_wait3A_851 = arith.constant 0 : i32
      %dma_wait3A_852 = tpu.memref_slice %arg8[%dma_wait3A_850, %dma_wait3A_851] : memref<416x16xf32, #tpu.memory_space<vmem>> -> memref<26x16xf32, #tpu.memory_space<vmem>>
      %dma_wait3A_853 = arith.constant 0 : i32
      %dma_wait3A_854 = arith.constant 0 : i32
      %dma_wait3A_855 = tpu.memref_slice %arg4[%add3A_383, %dma_wait3A_853, %dma_wait3A_854] : memref<16384x32x128xf32, #tpu.memory_space<hbm>> -> memref<1x26x16xf32, #tpu.memory_space<hbm>>
      %dma_wait3A_856 = tpu.memref_squeeze %dma_wait3A_855 : memref<1x26x16xf32, #tpu.memory_space<hbm>> -> memref<26x16xf32, #tpu.memory_space<hbm>>
      %dma_wait3A_857 = arith.constant 0 : i32
      %dma_wait3A_858 = arith.constant 0 : i32
      %dma_wait3A_859 = tpu.memref_slice %arg4[%add3A_383, %dma_wait3A_857, %dma_wait3A_858] : memref<16384x32x128xf32, #tpu.memory_space<hbm>> -> memref<1x26x16xf32, #tpu.memory_space<hbm>>
      %dma_wait3A_860 = tpu.memref_squeeze %dma_wait3A_859 : memref<1x26x16xf32, #tpu.memory_space<hbm>> -> memref<26x16xf32, #tpu.memory_space<hbm>>
      %dma_wait3A_861 = arith.constant 156 : i32
      %dma_wait3A_862 = arith.constant 0 : i32
      %dma_wait3A_863 = tpu.memref_slice %arg8[%dma_wait3A_861, %dma_wait3A_862] : memref<416x16xf32, #tpu.memory_space<vmem>> -> memref<26x16xf32, #tpu.memory_space<vmem>>
      tpu.wait_dma2 semaphore(%arg11 : memref<!tpu.dma_semaphore, #tpu.memory_space<semaphore_mem>>) src(%dma_wait3A_863 : memref<26x16xf32, #tpu.memory_space<vmem>>) dst(%dma_wait3A_860 : memref<26x16xf32, #tpu.memory_space<hbm>>)
      %dma_wait3A_864 = arith.constant 182 : i32
      %dma_wait3A_865 = arith.constant 0 : i32
      %dma_wait3A_866 = tpu.memref_slice %arg8[%dma_wait3A_864, %dma_wait3A_865] : memref<416x16xf32, #tpu.memory_space<vmem>> -> memref<26x16xf32, #tpu.memory_space<vmem>>
      %dma_wait3A_867 = arith.constant 0 : i32
      %dma_wait3A_868 = arith.constant 0 : i32
      %dma_wait3A_869 = tpu.memref_slice %arg4[%add3A_399, %dma_wait3A_867, %dma_wait3A_868] : memref<16384x32x128xf32, #tpu.memory_space<hbm>> -> memref<1x26x16xf32, #tpu.memory_space<hbm>>
      %dma_wait3A_870 = tpu.memref_squeeze %dma_wait3A_869 : memref<1x26x16xf32, #tpu.memory_space<hbm>> -> memref<26x16xf32, #tpu.memory_space<hbm>>
      %dma_wait3A_871 = arith.constant 0 : i32
      %dma_wait3A_872 = arith.constant 0 : i32
      %dma_wait3A_873 = tpu.memref_slice %arg4[%add3A_399, %dma_wait3A_871, %dma_wait3A_872] : memref<16384x32x128xf32, #tpu.memory_space<hbm>> -> memref<1x26x16xf32, #tpu.memory_space<hbm>>
      %dma_wait3A_874 = tpu.memref_squeeze %dma_wait3A_873 : memref<1x26x16xf32, #tpu.memory_space<hbm>> -> memref<26x16xf32, #tpu.memory_space<hbm>>
      %dma_wait3A_875 = arith.constant 182 : i32
      %dma_wait3A_876 = arith.constant 0 : i32
      %dma_wait3A_877 = tpu.memref_slice %arg8[%dma_wait3A_875, %dma_wait3A_876] : memref<416x16xf32, #tpu.memory_space<vmem>> -> memref<26x16xf32, #tpu.memory_space<vmem>>
      tpu.wait_dma2 semaphore(%arg11 : memref<!tpu.dma_semaphore, #tpu.memory_space<semaphore_mem>>) src(%dma_wait3A_877 : memref<26x16xf32, #tpu.memory_space<vmem>>) dst(%dma_wait3A_874 : memref<26x16xf32, #tpu.memory_space<hbm>>)
      %dma_wait3A_878 = arith.constant 208 : i32
      %dma_wait3A_879 = arith.constant 0 : i32
      %dma_wait3A_880 = tpu.memref_slice %arg8[%dma_wait3A_878, %dma_wait3A_879] : memref<416x16xf32, #tpu.memory_space<vmem>> -> memref<26x16xf32, #tpu.memory_space<vmem>>
      %dma_wait3A_881 = arith.constant 0 : i32
      %dma_wait3A_882 = arith.constant 0 : i32
      %dma_wait3A_883 = tpu.memref_slice %arg4[%add3A_415, %dma_wait3A_881, %dma_wait3A_882] : memref<16384x32x128xf32, #tpu.memory_space<hbm>> -> memref<1x26x16xf32, #tpu.memory_space<hbm>>
      %dma_wait3A_884 = tpu.memref_squeeze %dma_wait3A_883 : memref<1x26x16xf32, #tpu.memory_space<hbm>> -> memref<26x16xf32, #tpu.memory_space<hbm>>
      %dma_wait3A_885 = arith.constant 0 : i32
      %dma_wait3A_886 = arith.constant 0 : i32
      %dma_wait3A_887 = tpu.memref_slice %arg4[%add3A_415, %dma_wait3A_885, %dma_wait3A_886] : memref<16384x32x128xf32, #tpu.memory_space<hbm>> -> memref<1x26x16xf32, #tpu.memory_space<hbm>>
      %dma_wait3A_888 = tpu.memref_squeeze %dma_wait3A_887 : memref<1x26x16xf32, #tpu.memory_space<hbm>> -> memref<26x16xf32, #tpu.memory_space<hbm>>
      %dma_wait3A_889 = arith.constant 208 : i32
      %dma_wait3A_890 = arith.constant 0 : i32
      %dma_wait3A_891 = tpu.memref_slice %arg8[%dma_wait3A_889, %dma_wait3A_890] : memref<416x16xf32, #tpu.memory_space<vmem>> -> memref<26x16xf32, #tpu.memory_space<vmem>>
      tpu.wait_dma2 semaphore(%arg11 : memref<!tpu.dma_semaphore, #tpu.memory_space<semaphore_mem>>) src(%dma_wait3A_891 : memref<26x16xf32, #tpu.memory_space<vmem>>) dst(%dma_wait3A_888 : memref<26x16xf32, #tpu.memory_space<hbm>>)
      %dma_wait3A_892 = arith.constant 234 : i32
      %dma_wait3A_893 = arith.constant 0 : i32
      %dma_wait3A_894 = tpu.memref_slice %arg8[%dma_wait3A_892, %dma_wait3A_893] : memref<416x16xf32, #tpu.memory_space<vmem>> -> memref<26x16xf32, #tpu.memory_space<vmem>>
      %dma_wait3A_895 = arith.constant 0 : i32
      %dma_wait3A_896 = arith.constant 0 : i32
      %dma_wait3A_897 = tpu.memref_slice %arg4[%add3A_431, %dma_wait3A_895, %dma_wait3A_896] : memref<16384x32x128xf32, #tpu.memory_space<hbm>> -> memref<1x26x16xf32, #tpu.memory_space<hbm>>
      %dma_wait3A_898 = tpu.memref_squeeze %dma_wait3A_897 : memref<1x26x16xf32, #tpu.memory_space<hbm>> -> memref<26x16xf32, #tpu.memory_space<hbm>>
      %dma_wait3A_899 = arith.constant 0 : i32
      %dma_wait3A_900 = arith.constant 0 : i32
      %dma_wait3A_901 = tpu.memref_slice %arg4[%add3A_431, %dma_wait3A_899, %dma_wait3A_900] : memref<16384x32x128xf32, #tpu.memory_space<hbm>> -> memref<1x26x16xf32, #tpu.memory_space<hbm>>
      %dma_wait3A_902 = tpu.memref_squeeze %dma_wait3A_901 : memref<1x26x16xf32, #tpu.memory_space<hbm>> -> memref<26x16xf32, #tpu.memory_space<hbm>>
      %dma_wait3A_903 = arith.constant 234 : i32
      %dma_wait3A_904 = arith.constant 0 : i32
      %dma_wait3A_905 = tpu.memref_slice %arg8[%dma_wait3A_903, %dma_wait3A_904] : memref<416x16xf32, #tpu.memory_space<vmem>> -> memref<26x16xf32, #tpu.memory_space<vmem>>
      tpu.wait_dma2 semaphore(%arg11 : memref<!tpu.dma_semaphore, #tpu.memory_space<semaphore_mem>>) src(%dma_wait3A_905 : memref<26x16xf32, #tpu.memory_space<vmem>>) dst(%dma_wait3A_902 : memref<26x16xf32, #tpu.memory_space<hbm>>)
      %dma_wait3A_906 = arith.constant 260 : i32
      %dma_wait3A_907 = arith.constant 0 : i32
      %dma_wait3A_908 = tpu.memref_slice %arg8[%dma_wait3A_906, %dma_wait3A_907] : memref<416x16xf32, #tpu.memory_space<vmem>> -> memref<26x16xf32, #tpu.memory_space<vmem>>
      %dma_wait3A_909 = arith.constant 0 : i32
      %dma_wait3A_910 = arith.constant 0 : i32
      %dma_wait3A_911 = tpu.memref_slice %arg4[%add3A_447, %dma_wait3A_909, %dma_wait3A_910] : memref<16384x32x128xf32, #tpu.memory_space<hbm>> -> memref<1x26x16xf32, #tpu.memory_space<hbm>>
      %dma_wait3A_912 = tpu.memref_squeeze %dma_wait3A_911 : memref<1x26x16xf32, #tpu.memory_space<hbm>> -> memref<26x16xf32, #tpu.memory_space<hbm>>
      %dma_wait3A_913 = arith.constant 0 : i32
      %dma_wait3A_914 = arith.constant 0 : i32
      %dma_wait3A_915 = tpu.memref_slice %arg4[%add3A_447, %dma_wait3A_913, %dma_wait3A_914] : memref<16384x32x128xf32, #tpu.memory_space<hbm>> -> memref<1x26x16xf32, #tpu.memory_space<hbm>>
      %dma_wait3A_916 = tpu.memref_squeeze %dma_wait3A_915 : memref<1x26x16xf32, #tpu.memory_space<hbm>> -> memref<26x16xf32, #tpu.memory_space<hbm>>
      %dma_wait3A_917 = arith.constant 260 : i32
      %dma_wait3A_918 = arith.constant 0 : i32
      %dma_wait3A_919 = tpu.memref_slice %arg8[%dma_wait3A_917, %dma_wait3A_918] : memref<416x16xf32, #tpu.memory_space<vmem>> -> memref<26x16xf32, #tpu.memory_space<vmem>>
      tpu.wait_dma2 semaphore(%arg11 : memref<!tpu.dma_semaphore, #tpu.memory_space<semaphore_mem>>) src(%dma_wait3A_919 : memref<26x16xf32, #tpu.memory_space<vmem>>) dst(%dma_wait3A_916 : memref<26x16xf32, #tpu.memory_space<hbm>>)
      %dma_wait3A_920 = arith.constant 286 : i32
      %dma_wait3A_921 = arith.constant 0 : i32
      %dma_wait3A_922 = tpu.memref_slice %arg8[%dma_wait3A_920, %dma_wait3A_921] : memref<416x16xf32, #tpu.memory_space<vmem>> -> memref<26x16xf32, #tpu.memory_space<vmem>>
      %dma_wait3A_923 = arith.constant 0 : i32
      %dma_wait3A_924 = arith.constant 0 : i32
      %dma_wait3A_925 = tpu.memref_slice %arg4[%add3A_463, %dma_wait3A_923, %dma_wait3A_924] : memref<16384x32x128xf32, #tpu.memory_space<hbm>> -> memref<1x26x16xf32, #tpu.memory_space<hbm>>
      %dma_wait3A_926 = tpu.memref_squeeze %dma_wait3A_925 : memref<1x26x16xf32, #tpu.memory_space<hbm>> -> memref<26x16xf32, #tpu.memory_space<hbm>>
      %dma_wait3A_927 = arith.constant 0 : i32
      %dma_wait3A_928 = arith.constant 0 : i32
      %dma_wait3A_929 = tpu.memref_slice %arg4[%add3A_463, %dma_wait3A_927, %dma_wait3A_928] : memref<16384x32x128xf32, #tpu.memory_space<hbm>> -> memref<1x26x16xf32, #tpu.memory_space<hbm>>
      %dma_wait3A_930 = tpu.memref_squeeze %dma_wait3A_929 : memref<1x26x16xf32, #tpu.memory_space<hbm>> -> memref<26x16xf32, #tpu.memory_space<hbm>>
      %dma_wait3A_931 = arith.constant 286 : i32
      %dma_wait3A_932 = arith.constant 0 : i32
      %dma_wait3A_933 = tpu.memref_slice %arg8[%dma_wait3A_931, %dma_wait3A_932] : memref<416x16xf32, #tpu.memory_space<vmem>> -> memref<26x16xf32, #tpu.memory_space<vmem>>
      tpu.wait_dma2 semaphore(%arg11 : memref<!tpu.dma_semaphore, #tpu.memory_space<semaphore_mem>>) src(%dma_wait3A_933 : memref<26x16xf32, #tpu.memory_space<vmem>>) dst(%dma_wait3A_930 : memref<26x16xf32, #tpu.memory_space<hbm>>)
      %dma_wait3A_934 = arith.constant 312 : i32
      %dma_wait3A_935 = arith.constant 0 : i32
      %dma_wait3A_936 = tpu.memref_slice %arg8[%dma_wait3A_934, %dma_wait3A_935] : memref<416x16xf32, #tpu.memory_space<vmem>> -> memref<26x16xf32, #tpu.memory_space<vmem>>
      %dma_wait3A_937 = arith.constant 0 : i32
      %dma_wait3A_938 = arith.constant 0 : i32
      %dma_wait3A_939 = tpu.memref_slice %arg4[%add3A_479, %dma_wait3A_937, %dma_wait3A_938] : memref<16384x32x128xf32, #tpu.memory_space<hbm>> -> memref<1x26x16xf32, #tpu.memory_space<hbm>>
      %dma_wait3A_940 = tpu.memref_squeeze %dma_wait3A_939 : memref<1x26x16xf32, #tpu.memory_space<hbm>> -> memref<26x16xf32, #tpu.memory_space<hbm>>
      %dma_wait3A_941 = arith.constant 0 : i32
      %dma_wait3A_942 = arith.constant 0 : i32
      %dma_wait3A_943 = tpu.memref_slice %arg4[%add3A_479, %dma_wait3A_941, %dma_wait3A_942] : memref<16384x32x128xf32, #tpu.memory_space<hbm>> -> memref<1x26x16xf32, #tpu.memory_space<hbm>>
      %dma_wait3A_944 = tpu.memref_squeeze %dma_wait3A_943 : memref<1x26x16xf32, #tpu.memory_space<hbm>> -> memref<26x16xf32, #tpu.memory_space<hbm>>
      %dma_wait3A_945 = arith.constant 312 : i32
      %dma_wait3A_946 = arith.constant 0 : i32
      %dma_wait3A_947 = tpu.memref_slice %arg8[%dma_wait3A_945, %dma_wait3A_946] : memref<416x16xf32, #tpu.memory_space<vmem>> -> memref<26x16xf32, #tpu.memory_space<vmem>>
      tpu.wait_dma2 semaphore(%arg11 : memref<!tpu.dma_semaphore, #tpu.memory_space<semaphore_mem>>) src(%dma_wait3A_947 : memref<26x16xf32, #tpu.memory_space<vmem>>) dst(%dma_wait3A_944 : memref<26x16xf32, #tpu.memory_space<hbm>>)
      %dma_wait3A_948 = arith.constant 338 : i32
      %dma_wait3A_949 = arith.constant 0 : i32
      %dma_wait3A_950 = tpu.memref_slice %arg8[%dma_wait3A_948, %dma_wait3A_949] : memref<416x16xf32, #tpu.memory_space<vmem>> -> memref<26x16xf32, #tpu.memory_space<vmem>>
      %dma_wait3A_951 = arith.constant 0 : i32
      %dma_wait3A_952 = arith.constant 0 : i32
      %dma_wait3A_953 = tpu.memref_slice %arg4[%add3A_495, %dma_wait3A_951, %dma_wait3A_952] : memref<16384x32x128xf32, #tpu.memory_space<hbm>> -> memref<1x26x16xf32, #tpu.memory_space<hbm>>
      %dma_wait3A_954 = tpu.memref_squeeze %dma_wait3A_953 : memref<1x26x16xf32, #tpu.memory_space<hbm>> -> memref<26x16xf32, #tpu.memory_space<hbm>>
      %dma_wait3A_955 = arith.constant 0 : i32
      %dma_wait3A_956 = arith.constant 0 : i32
      %dma_wait3A_957 = tpu.memref_slice %arg4[%add3A_495, %dma_wait3A_955, %dma_wait3A_956] : memref<16384x32x128xf32, #tpu.memory_space<hbm>> -> memref<1x26x16xf32, #tpu.memory_space<hbm>>
      %dma_wait3A_958 = tpu.memref_squeeze %dma_wait3A_957 : memref<1x26x16xf32, #tpu.memory_space<hbm>> -> memref<26x16xf32, #tpu.memory_space<hbm>>
      %dma_wait3A_959 = arith.constant 338 : i32
      %dma_wait3A_960 = arith.constant 0 : i32
      %dma_wait3A_961 = tpu.memref_slice %arg8[%dma_wait3A_959, %dma_wait3A_960] : memref<416x16xf32, #tpu.memory_space<vmem>> -> memref<26x16xf32, #tpu.memory_space<vmem>>
      tpu.wait_dma2 semaphore(%arg11 : memref<!tpu.dma_semaphore, #tpu.memory_space<semaphore_mem>>) src(%dma_wait3A_961 : memref<26x16xf32, #tpu.memory_space<vmem>>) dst(%dma_wait3A_958 : memref<26x16xf32, #tpu.memory_space<hbm>>)
      %dma_wait3A_962 = arith.constant 364 : i32
      %dma_wait3A_963 = arith.constant 0 : i32
      %dma_wait3A_964 = tpu.memref_slice %arg8[%dma_wait3A_962, %dma_wait3A_963] : memref<416x16xf32, #tpu.memory_space<vmem>> -> memref<26x16xf32, #tpu.memory_space<vmem>>
      %dma_wait3A_965 = arith.constant 0 : i32
      %dma_wait3A_966 = arith.constant 0 : i32
      %dma_wait3A_967 = tpu.memref_slice %arg4[%add3A_511, %dma_wait3A_965, %dma_wait3A_966] : memref<16384x32x128xf32, #tpu.memory_space<hbm>> -> memref<1x26x16xf32, #tpu.memory_space<hbm>>
      %dma_wait3A_968 = tpu.memref_squeeze %dma_wait3A_967 : memref<1x26x16xf32, #tpu.memory_space<hbm>> -> memref<26x16xf32, #tpu.memory_space<hbm>>
      %dma_wait3A_969 = arith.constant 0 : i32
      %dma_wait3A_970 = arith.constant 0 : i32
      %dma_wait3A_971 = tpu.memref_slice %arg4[%add3A_511, %dma_wait3A_969, %dma_wait3A_970] : memref<16384x32x128xf32, #tpu.memory_space<hbm>> -> memref<1x26x16xf32, #tpu.memory_space<hbm>>
      %dma_wait3A_972 = tpu.memref_squeeze %dma_wait3A_971 : memref<1x26x16xf32, #tpu.memory_space<hbm>> -> memref<26x16xf32, #tpu.memory_space<hbm>>
      %dma_wait3A_973 = arith.constant 364 : i32
      %dma_wait3A_974 = arith.constant 0 : i32
      %dma_wait3A_975 = tpu.memref_slice %arg8[%dma_wait3A_973, %dma_wait3A_974] : memref<416x16xf32, #tpu.memory_space<vmem>> -> memref<26x16xf32, #tpu.memory_space<vmem>>
      tpu.wait_dma2 semaphore(%arg11 : memref<!tpu.dma_semaphore, #tpu.memory_space<semaphore_mem>>) src(%dma_wait3A_975 : memref<26x16xf32, #tpu.memory_space<vmem>>) dst(%dma_wait3A_972 : memref<26x16xf32, #tpu.memory_space<hbm>>)
      %dma_wait3A_976 = arith.constant 390 : i32
      %dma_wait3A_977 = arith.constant 0 : i32
      %dma_wait3A_978 = tpu.memref_slice %arg8[%dma_wait3A_976, %dma_wait3A_977] : memref<416x16xf32, #tpu.memory_space<vmem>> -> memref<26x16xf32, #tpu.memory_space<vmem>>
      %dma_wait3A_979 = arith.constant 0 : i32
      %dma_wait3A_980 = arith.constant 0 : i32
      %dma_wait3A_981 = tpu.memref_slice %arg4[%add3A_527, %dma_wait3A_979, %dma_wait3A_980] : memref<16384x32x128xf32, #tpu.memory_space<hbm>> -> memref<1x26x16xf32, #tpu.memory_space<hbm>>
      %dma_wait3A_982 = tpu.memref_squeeze %dma_wait3A_981 : memref<1x26x16xf32, #tpu.memory_space<hbm>> -> memref<26x16xf32, #tpu.memory_space<hbm>>
      %dma_wait3A_983 = arith.constant 0 : i32
      %dma_wait3A_984 = arith.constant 0 : i32
      %dma_wait3A_985 = tpu.memref_slice %arg4[%add3A_527, %dma_wait3A_983, %dma_wait3A_984] : memref<16384x32x128xf32, #tpu.memory_space<hbm>> -> memref<1x26x16xf32, #tpu.memory_space<hbm>>
      %dma_wait3A_986 = tpu.memref_squeeze %dma_wait3A_985 : memref<1x26x16xf32, #tpu.memory_space<hbm>> -> memref<26x16xf32, #tpu.memory_space<hbm>>
      %dma_wait3A_987 = arith.constant 390 : i32
      %dma_wait3A_988 = arith.constant 0 : i32
      %dma_wait3A_989 = tpu.memref_slice %arg8[%dma_wait3A_987, %dma_wait3A_988] : memref<416x16xf32, #tpu.memory_space<vmem>> -> memref<26x16xf32, #tpu.memory_space<vmem>>
      tpu.wait_dma2 semaphore(%arg11 : memref<!tpu.dma_semaphore, #tpu.memory_space<semaphore_mem>>) src(%dma_wait3A_989 : memref<26x16xf32, #tpu.memory_space<vmem>>) dst(%dma_wait3A_986 : memref<26x16xf32, #tpu.memory_space<hbm>>)
    }
    %scan3A_5 = arith.constant 16 : i32
    return
  }
}

</mosaic_0001>

<sc_bundles>
// kernel: kernel.3.cloned.1.call-start
scs
__scs_entry_jumppad:
0x0: {  	(pc) =	sbr.rel $0x88, $3  }
0x1: {  	(tag) =	ssettag $0x0;
	lr =	simm.s32 $0x1  }
0x2: {  	[smem:$0x3F9F] =	sst lr;
	_ =	strace $0xD0000000  }
0x3: {  	_ = 	snop  }
0x4: {  	_ = 	snop  }
0x5: {  	_ = 	snop  }
0x6: {  	_ = 	snop  }
0x7: {  	_ = 	snop  }
__scs_overlays_trampoline_lowered:
0x8: {  	[smem:$0x3FAE] =	sst s0  }
0x9: {  	[smem:$0x3FAF] =	sst s1  }
0xa: {  	[smem:$0x3FB0] =	sst s2  }
0xb: {  	[smem:$0x3FB1] =	sst s3  }
0xc: {  	[smem:$0x3FB2] =	sst s4  }
0xd: {  	[smem:$0x3FB3] =	sst s5  }
0xe: {  	[smem:$0x3FB4] =	sst s6  }
0xf: {  	[smem:$0x3FB5] =	sst s7  }
0x10: {  	[smem:$0x3FB6] =	sst s8  }
0x11: {  	[smem:$0x3FB7] =	sst s9;
	s0 =	simm.s32 @!p0 $0x0  }
0x12: {  	s1 =	sld [smem:$0x3F9D];
	s0 =	simm.s32 @p0 $0x1  }
0x13: {  	[smem:$0x3FB8] =	sst s0;
	s0 =	simm.s32 @!p1 $0x0  }
0x14: {  	s2 =	sld [smem:$0x3F9C];
	s0 =	simm.s32 @p1 $0x1  }
0x15: {  	[smem:$0x3FB9] =	sst s0;
	s0 =	simm.s32 @!p2 $0x0  }
0x16: {  	s3 =	sld [smem:$0x3FDB];
	s0 =	simm.s32 @p2 $0x1  }
0x17: {  	s4 =	simm.s32 $0x1BF5;
	[smem:$0x3FBB] =	sst s0  }
0x18: {  	s0 =	sld [smem:$0x3F9E];
	_ =	swait.ge [sflag:s4], $0x0  }
0x19: {  	s7 =	sld [smem:$0x3F9F]  }
0x1a: {  	s8 =	sadd.s32 $0xFFFFE003, lr  }
0x1b: {  	s9 =	sadd.s32 $0xFFFFFEF7, lr;
	s5 =	simm.s32 $0xFFFFFFFF;
	p2 =	slt.u32 s8, $0xFFFFF086  }
0x1c: {  	p1 =	slt.u32 s9, $0xF7A;
	s5 =	simm.s32 @!p2 $0x0  }
0x1d: {  	s5 =	simm.s32 @p1 $0x1;
	p0 =	seq.s32 s7, s2  }
0x1e: {  	s7 =	smul.u32 @!p0 $0xF7A, s2;
	p2 =	seq.s32 @!p0 s5, $0x0  }
0x1f: {  	s9 =	smul.u32 $0xF7A, s1;
	s8 =	simm.s32 @!p0 $0x1BF5;
	p2 =	por !p2, p0  }
0x20: {  	[sflag:s8] =	ssyncset.s32 @!p0 $0xFFFFF086;
	s6 =	sadd.s32 @!p0 s3, s7;
	s7 =	simm.s32 @!p0 $0x108  }
0x21: {  	s3 =	sadd.s32 s3, s9;
	s6 =	sadd.s32 @!p0 $0x88, s6;
	s7 =	simm.s32 @p2 $0x1082  }
0x22: {  	[simem:s7], [sflag:s8] =	dma.local @!p0 [hbm:s6], $0xF7A  }
0x23: {  	s9 =	sor.u32 $0xD0000000, s2;
	s6 =	simm.s32 $0x108;
	_ =	swait.ge @!p0 [sflag:s8], $0x0  }
0x24: {  	s3 =	sadd.s32 $0x88, s3;
	s6 =	simm.s32 @!p1 $0x1082;
	[sflag:s4] =	ssyncset.s32 $0xFFFFF086  }
0x25: {  	[simem:s6], [sflag:s4] =	dma.local [hbm:s3], $0xF7A  }
0x26: {  	[smem:$0x3F9F] =	sst s1;
	(tag) =	ssettag s2;
	_ =	strace s9  }
0x27: {  	s1 =	sld [smem:$0x3FAF]  }
0x28: {  	s2 =	sld [smem:$0x3FB0]  }
0x29: {  	s4 =	sld [smem:$0x3FB2]  }
0x2a: {  	p0 =	seq.s32 s5, $0x0;
	s5 =	sld [smem:$0x3FB3]  }
0x2b: {  	s6 =	sld [smem:$0x3FB4]  }
0x2c: {  	s7 =	sld [smem:$0x3FB5]  }
0x2d: {  	s3 =	simm.s32 $0x108;
	s8 =	sld [smem:$0x3FB6]  }
0x2e: {  	s3 =	simm.s32 @!p0 $0x1082;
	s9 =	sld [smem:$0x3FB7]  }
0x2f: {  	lr =	sadd.s32 s0, s3;
	s0 =	sld [smem:$0x3FAE]  }
0x30: {  	s3 =	sld [smem:$0x3FB1]  }
0x31: {  	[smem:$0x3FBA] =	sst s10  }
0x32: {  	s10 =	sld [smem:$0x3FB8];
	_ =	sdelay $0x3  }
0x33: {  	p0 =	seq.s32 s10, $0x1;
	s10 =	sld [smem:$0x3FBA];
	_ =	sdelay $0x3  }
0x34: {  	[smem:$0x3FBA] =	sst s10  }
0x35: {  	s10 =	sld [smem:$0x3FB9];
	_ =	sdelay $0x3  }
0x36: {  	p1 =	seq.s32 s10, $0x1;
	s10 =	sld [smem:$0x3FBA];
	_ =	sdelay $0x3  }
0x37: {  	[smem:$0x3FBA] =	sst s10  }
0x38: {  	s10 =	sld [smem:$0x3FBB]  }
0x39: {  	_ = 	snop;
	(pc) =	sbr.ind lr, $3  }
0x3a: {  	_ = 	snop  }
0x3b: {  	_ = 	snop  }
0x3c: {  	p2 =	seq.s32 s10, $0x1;
	s10 =	sld [smem:$0x3FBA]  }
0x3d: {  	_ =	shalt  }
0x3e: {  	_ =	shalt  }
0x3f: {  	_ =	shalt  }
0x40: {  	_ =	shalt  }
0x41: {  	_ =	shalt  }
0x42: {  	_ =	shalt  }
0x43: {  	_ =	shalt  }
0x44: {  	_ =	shalt  }
0x45: {  	_ =	shalt  }
0x46: {  	_ =	shalt  }
0x47: {  	_ =	shalt  }
0x48: {  	_ =	shalt  }
0x49: {  	_ =	shalt  }
0x4a: {  	_ =	shalt  }
0x4b: {  	_ =	shalt  }
0x4c: {  	_ =	shalt  }
0x4d: {  	_ =	shalt  }
0x4e: {  	_ =	shalt  }
0x4f: {  	_ =	shalt  }
0x50: {  	_ =	shalt  }
0x51: {  	_ =	shalt  }
0x52: {  	_ =	shalt  }
0x53: {  	_ =	shalt  }
0x54: {  	_ =	shalt  }
0x55: {  	_ =	shalt  }
0x56: {  	_ =	shalt  }
0x57: {  	_ =	shalt  }
0x58: {  	_ =	shalt  }
0x59: {  	_ =	shalt  }
0x5a: {  	_ =	shalt  }
0x5b: {  	_ =	shalt  }
0x5c: {  	_ =	shalt  }
0x5d: {  	_ =	shalt  }
0x5e: {  	_ =	shalt  }
0x5f: {  	_ =	shalt  }
0x60: {  	_ =	shalt  }
0x61: {  	_ =	shalt  }
0x62: {  	_ =	shalt  }
0x63: {  	_ =	shalt  }
0x64: {  	_ =	shalt  }
0x65: {  	_ =	shalt  }
0x66: {  	_ =	shalt  }
0x67: {  	_ =	shalt  }
0x68: {  	_ =	shalt  }
0x69: {  	_ =	shalt  }
0x6a: {  	_ =	shalt  }
0x6b: {  	_ =	shalt  }
0x6c: {  	_ =	shalt  }
0x6d: {  	_ =	shalt  }
0x6e: {  	_ =	shalt  }
0x6f: {  	_ =	shalt  }
0x70: {  	_ =	shalt  }
0x71: {  	_ =	shalt  }
0x72: {  	_ =	shalt  }
0x73: {  	_ =	shalt  }
0x74: {  	_ =	shalt  }
0x75: {  	_ =	shalt  }
0x76: {  	_ =	shalt  }
0x77: {  	_ =	shalt  }
0x78: {  	_ =	shalt  }
0x79: {  	_ =	shalt  }
0x7a: {  	_ =	shalt  }
0x7b: {  	_ =	shalt  }
0x7c: {  	_ =	shalt  }
0x7d: {  	_ =	shalt  }
0x7e: {  	_ =	shalt  }
0x7f: {  	_ =	shalt  }
0x80: {  	_ =	shalt  }
0x81: {  	_ =	shalt  }
0x82: {  	_ =	shalt  }
0x83: {  	_ =	shalt  }
0x84: {  	_ =	shalt  }
0x85: {  	_ =	shalt  }
0x86: {  	_ =	shalt  }
0x87: {  	_ =	shalt  }
.Lfunc_end0:
.L_simem_size_0:
called_computation_lowered:
.L_overlay_start_0:
0x88: {  	s2 =	sld [smem:$0x3FD9]  }
0x89: {  	s3 =	sld [smem:$0x3FFE];
	_ =	sdelay $0x1  }
0x8a: {  	s1 =	srdreg.scid  }
0x8b: {  	s0 =	sand.u32 $0x1, s1  }
0x8c: {  	s17 =	sshll.u32 s0, $0xA;
	s2 =	sadd.s32 s3, s2  }
0x8d: {  	s2 =	sadd.s32 s2, s17  }
0x8e: {  	[smem:$0x3FC6] =	sst s2  }
0x8f: {  	_ = 	snop  }
0x90: {  	s2 =	sld [smem:$0x3FD0];
	(tm) =	ssettm $0x1  }
0x91: {  	s18 =	sld [smem:$0x3FFB];
	_ =	sdelay $0x3  }
0x92: {  	_ =	strace s18  }
0x93: {  	s3 =	sld [smem:$0x3FFC];
	_ =	sdelay $0x3  }
0x94: {  	_ =	strace s3  }
0x95: {  	s3 =	sld [smem:$0x3FFD];
	_ =	sdelay $0x3  }
0x96: {  	_ =	strace s3  }
0x97: {  	_ =	strace $0x8FFFFFFF  }
0x98: {  	s19 =	sld [smem:$0x3FDB];
	_ =	sdelay $0x1  }
0x99: {  	s4 =	simm.s32 $_scs_section_size  }
0x9a: {  	s5 =	simm.s32 $_size__tile_overlayer_lowered;
	s6 =	simm.s32 $_tile_overlayer_lowered  }
0x9b: {  	s22 =	simm.s32 $0x1BFF;
	s21 =	sshll.u32 s6, $0x1;
	s3 =	sadd.s32 s4, s19  }
0x9c: {  	s7 =	simm.s32 $0x0;
	s20 =	sshll.u32 s5, $0x1;
	s5 =	sadd.s32 s21, s3  }
0x9d: {  	[timem:s7], [sflag:s22] =	dma.local [hbm:s5], s20  }
0x9e: {  	_ =	swait.ge [sflag:s22], s20  }
0x9f: {  	s4 =	ssub.s32 $0x0, s20;
	[sflag:s22] =	ssyncset.done $0x0  }
0xa0: {  	[sflag:s22] =	ssyncadd.s32 s4;
	_ =	sdelay $0x1  }
0xa1: {  	s23 =	simm.s32 $0x1B8B  }
0xa2: {  	_ =	swait.ge [sflag:s23], $0x1  }
0xa3: {  	[sflag:s23] =	ssyncset.done $0x0  }
0xa4: {  	s25 =	simm.s32 $0x1B8E;
	s24 =	sld [smem:$0x3FFE];
	[sflag:s23] =	ssyncadd.s32 $0xFFFFFFFF  }
0xa5: {  	s26 =	simm.s32 $execute0_lowered;
	[smem:$0x3FD2] =	sst s25  }
0xa6: {  	s5 =	sshll.u32 s26, $0x1;
	_ =	strace $0x80000046;
	[dreg:$0x1] =	wrdreg $0xFFFFFFFF  }
0xa7: {  	s28 =	simm.s32 $_size_execute0_lowered;
	s3 =	sadd.s32 s3, s5;
	[dreg:$0x0] =	wrdreg $0x0  }
0xa8: {  	s5 =	sshll.u32 s28, $0x1;
	[dreg:$0x2] =	wrdreg s3  }
0xa9: {  	[dreg:$0x3] =	wrdreg s5  }
0xaa: {  	[dreg:$0x4] =	wrdreg $0xC0  }
0xab: {  	_ =	task [dreg:s7], $0x5FFFF  }
0xac: {  	[dreg:$0x1] =	wrdreg $0xFFFFFFFF  }
0xad: {  	[dreg:$0x0] =	wrdreg $0x60  }
0xae: {  	[dreg:$0x2] =	wrdreg s24  }
0xaf: {  	[dreg:$0x3] =	wrdreg s2  }
0xb0: {  	[dreg:$0x4] =	wrdreg $0x9  }
0xb1: {  	_ =	task.clear_ibuf [dreg:s7], $0x5FFFF;
	_ =	strace $0x90000046  }
0xb2: {  	s29 =	simm.s32 $0x9;
	_ =	strace $0x80000048  }
0xb3: {  	_ =	swait.ge [sflag:s29], $0x1  }
0xb4: {  	[sflag:s29] =	ssyncadd.s32 $0xFFFFFFFF  }
0xb5: {  	_ =	strace $0x90000048  }
0xb6: {  	_ =	sfence  }
0xb7: {  	s30 =	sld [smem:$0x0];
	_ =	sdelay $0x2  }
0xb8: {  	s31 =	sshll.u32 s1, $0xD;
	s1 =	sshrl.u32 s1, $0x2  }
0xb9: {  	s3 =	sand.u32 $0x4000, s31;
	s1 =	sadd.s32 s1, s30  }
0xba: {  	s0 =	sor.u32 s3, s0;
	s1 =	sshll.u32 s1, $0x11  }
0xbb: {  	s0 =	sor.u32 s1, s0  }
0xbc: {  	s0 =	sadd.s32 $0x8F2B, s0  }
0xbd: {  	[sflag:s0] =	ssyncadd.remote.s32 $0x1  }
0xbe: {  	_ =	sfence.sel $0xFFFF  }
0xbf: {  	[dreg:$0x0] =	wrdreg $0xFFFFFFFF;
	(pc) =	sbr.abs _section_cstart, $3  }
0xc0: {  	[dreg:$0x1] =	wrdreg $0xFFFFFFFF  }
0xc1: {  	_ =	task.clear_ibuf [dreg:s7], $0x2FFFF;
	_ =	strace $0x9FFFFFFF  }
0xc2: {  	(tm) =	ssettm $0x7FFFFFFF  }
0xc3: {  	_ =	shalt  }
tec
execute0_lowered:
.L_overlay_start_1:
0x0: {  	(tag) =	ssettag $0x1  }
0x1: {  	s3 =	rddreg [dreg:$0x0]  }
0x2: {  	s6 =	rddreg [dreg:$0x1]  }
0x3: {  	s0 =	rddreg [dreg:$0x2];
	s2 =	simm.s32 $0x0  }
0x4: {  	s23 =	simm.s32 $0x4E0;
	[smem:$0x7FF] =	sst s2  }
0x5: {  	s24 =	simm.s32 $0x680;
	_ =	strace $0x80000047;
	[dreg:$0x5] =	wrdreg s23  }
0x6: {  	s25 =	simm.s32 $0x820;
	[dreg:$0x6] =	wrdreg s24  }
0x7: {  	s26 =	simm.s32 $0x9C0;
	[dreg:$0x7] =	wrdreg s25  }
0x8: {  	s28 =	simm.s32 $0xB60;
	[dreg:$0x8] =	wrdreg s26  }
0x9: {  	s4 =	srdreg.scid;
	s29 =	simm.s32 $0xD00;
	[dreg:$0x9] =	wrdreg s28  }
0xa: {  	s1 =	stileid.u32;
	s30 =	simm.s32 $0xEA0;
	[dreg:$0xa] =	wrdreg s29  }
0xb: {  	s31 =	simm.s32 $0x1040;
	s11 =	simm.s32 $0x1520;
	[dreg:$0xb] =	wrdreg s30  }
0xc: {  	s13 =	simm.s32 $0x16C0;
	s14 =	simm.s32 $0x1860;
	[dreg:$0xc] =	wrdreg s31  }
0xd: {  	s16 =	simm.s32 $0x1A00;
	s17 =	simm.s32 $0x1BA0;
	[dreg:$0xf] =	wrdreg s11  }
0xe: {  	s5 =	sand.u32 $0x1, s4;
	s18 =	sshll.u32 s1, $0xA;
	[dreg:$0x10] =	wrdreg s13  }
0xf: {  	s8 =	sadd.s32 $0x600, s3;
	s9 =	sshll.u32 s1, $0x13;
	[dreg:$0x11] =	wrdreg s14  }
0x10: {  	s3 =	sadd.s32 $0x27ACA00, s3;
	s7 =	sshll.u32 s5, $0x9;
	[dreg:$0x12] =	wrdreg s16  }
0x11: {  	s19 =	sadd.s32 s9, s8;
	s9 =	simm.s32 $0x1380;
	[dreg:$0x13] =	wrdreg s17  }
0x12: {  	s20 =	sshll.u32 s5, $0x12;
	s23 =	simm.s32 $0x23C0;
	[dreg:$0xe] =	wrdreg s9  }
0x13: {  	s10 =	ssub.s32 $0x2, s5;
	s25 =	simm.s32 $0x2560;
	[dreg:$0x17] =	wrdreg s23  }
0x14: {  	s26 =	simm.s32 $0x2700;
	s28 =	simm.s32 $0x28A0;
	[dreg:$0x18] =	wrdreg s25  }
0x15: {  	s29 =	simm.s32 $0x2A40;
	s30 =	simm.s32 $0x2BE0;
	[dreg:$0x19] =	wrdreg s26  }
0x16: {  	s11 =	simm.s32 $0x2D80;
	s13 =	simm.s32 $0x30C0;
	[dreg:$0x1a] =	wrdreg s28  }
0x17: {  	s14 =	simm.s32 $0x3260;
	s31 =	simm.s32 $0x35A0;
	[dreg:$0x1b] =	wrdreg s29  }
0x18: {  	s16 =	simm.s32 $0x0;
	s4 =	sor.u32 s7, s18;
	[dreg:$0x1c] =	wrdreg s30  }
0x19: {  	s7 =	sadd.s32 s20, s19;
	s12 =	sshrl.u32 s10, $0x1;
	[dreg:$0x1d] =	wrdreg s11  }
0x1a: {  	s19 =	simm.s32 $0x1EE0;
	s20 =	smul.u32 $0x6800, s1;
	[dreg:$0x1f] =	wrdreg s13  }
0x1b: {  	s9 =	simm.s32 $0x340;
	s11 =	simm.s32 $0x1;
	[smem:$0x7FB] =	sst s14  }
0x1c: {  	s13 =	simm.s32 $0x80;
	[smem:$0x7FD] =	sst s31;
	s4 =	sor.u32 $0x10, s4  }
0x1d: {  	s14 =	simm.s32 $0x2;
	[dreg:$0x3] =	wrdreg s7;
	s21 =	sshll.u32 s4, $0x9  }
0x1e: {  	[dreg:$0x14] =	wrdreg s19;
	s7 =	simm.s32 $0x4;
	s22 =	sadd.s32 s21, s8  }
0x1f: {  	s15 =	smul.u32 $0xD, s4;
	s8 =	simm.s32 $0x11E0;
	[dreg:$0x4] =	wrdreg s22  }
0x20: {  	s21 =	simm.s32 $0x2080;
	[dreg:$0xd] =	wrdreg s8;
	s8 =	ssub.s32 s10, s12  }
0x21: {  	s18 =	sshrl.u32 s15, $0x2;
	s10 =	smul.u32 $0x3400, s5;
	[dreg:$0x15] =	wrdreg s21  }
0x22: {  	s22 =	simm.s32 $0x2220;
	s12 =	simm.s32 $0x2F20;
	s15 =	simm.s32 $0x3400  }
0x23: {  	s4 =	smax.u32 s8, $0x1;
	s5 =	sadd.s32 s18, s6;
	[dreg:$0x16] =	wrdreg s22  }
0x24: {  	[dreg:$0x1e] =	wrdreg s12;
	s12 =	simm.s32 $0x10;
	s24 =	sadd.s32 s10, s20  }
0x25: {  	[smem:$0x7FC] =	sst s15;
	s15 =	simm.s32 $0x3;
	s8 =	sshrl.u32 s24, $0x3  }
0x26: {  	s10 =	simm.s32 $0x1D40;
	s6 =	sadd.s32 s8, s6;
	s8 =	simm.s32 $0x1A0  }
.LBB2_1:
0x27: {  	[tilespmem:s2], [sflag:$0x4] =	stream.linear.gather [hbm4b:s6+s2], $0x1A0, $0x38;
	[tilespmem:$0x3740] =	vst v63  }
0x28: {  	_ =	swait.ge [sflag:s7], $0x1A0  }
0x29: {  	[sflag:s7] =	ssyncset.done $0x0  }
0x2a: {  	[sflag:s7] =	ssyncadd.s32 $0xFFFFFE60  }
0x2b: {  	[tilespmem:s9], [sflag:$0x1] =	stream.indirect.gather [hbm4b:s3+s8], $0x10, s2, s8, $0xb8;
	[tilespmem:$0x3740] =	vst v63  }
0x2c: {  	_ = 	snop  }
0x2d: {  	[tilespmem:s8], [sflag:$0x4] =	stream.linear.gather [hbm4b:s5+s2], $0x1A0, $0x38;
	[tilespmem:$0x3740] =	vst v63  }
0x2e: {  	_ =	swait.ge [sflag:s7], $0x1A0  }
0x2f: {  	[sflag:s7] =	ssyncset.done $0x0  }
0x30: {  	[sflag:s7] =	ssyncadd.s32 $0xFFFFFE60  }
0x31: {  	[tilespmem:s10], [sflag:$0x2] =	stream.indirect.gather [hbm4b:s3+s8], $0x10, s8, s8, $0xb8;
	[tilespmem:$0x3740] =	vst v63  }
0x32: {  	_ =	swait.ge [sflag:s11], $0x1A00  }
0x33: {  	s17 =	rddreg [dreg:$0x3];
	[sflag:s11] =	ssyncset.done $0x0  }
0x34: {  	[sflag:s11] =	ssyncadd.s32 $0xFFFFE600;
	s17 =	sadd.s32 $0x0, s17  }
0x35: {  	[hbm4b:s17+s12] =	stream.strided.scatter [tilespmem:s9], [sflag:$0x3], $0x1A0, s13, s12, $0x38;
	[tilespmem:$0x3740] =	vst v63  }
0x36: {  	s18 =	rddreg [dreg:$0x5];
	s19 =	sadd.s32 $0x200, s17  }
0x37: {  	[hbm4b:s19+s12] =	stream.strided.scatter [tilespmem:s18], [sflag:$0x3], $0x1A0, s13, s12, $0x38;
	[tilespmem:$0x3740] =	vst v63  }
0x38: {  	s20 =	rddreg [dreg:$0x6];
	s25 =	sadd.s32 $0x400, s17  }
0x39: {  	[hbm4b:s25+s12] =	stream.strided.scatter [tilespmem:s20], [sflag:$0x3], $0x1A0, s13, s12, $0x38;
	[tilespmem:$0x3740] =	vst v63  }
0x3a: {  	s26 =	rddreg [dreg:$0x7];
	s28 =	sadd.s32 $0x600, s17  }
0x3b: {  	[hbm4b:s28+s12] =	stream.strided.scatter [tilespmem:s26], [sflag:$0x3], $0x1A0, s13, s12, $0x38;
	[tilespmem:$0x3740] =	vst v63  }
0x3c: {  	s29 =	rddreg [dreg:$0x8];
	s30 =	sadd.s32 $0x800, s17  }
0x3d: {  	[hbm4b:s30+s12] =	stream.strided.scatter [tilespmem:s29], [sflag:$0x3], $0x1A0, s13, s12, $0x38;
	[tilespmem:$0x3740] =	vst v63  }
0x3e: {  	s31 =	rddreg [dreg:$0x9];
	s21 =	sadd.s32 $0xA00, s17  }
0x3f: {  	[hbm4b:s21+s12] =	stream.strided.scatter [tilespmem:s31], [sflag:$0x3], $0x1A0, s13, s12, $0x38;
	[tilespmem:$0x3740] =	vst v63  }
0x40: {  	s22 =	rddreg [dreg:$0xa];
	s23 =	sadd.s32 $0xC00, s17  }
0x41: {  	[hbm4b:s23+s12] =	stream.strided.scatter [tilespmem:s22], [sflag:$0x3], $0x1A0, s13, s12, $0x38;
	[tilespmem:$0x3740] =	vst v63  }
0x42: {  	s24 =	rddreg [dreg:$0xb];
	s25 =	sadd.s32 $0xE00, s17  }
0x43: {  	[hbm4b:s25+s12] =	stream.strided.scatter [tilespmem:s24], [sflag:$0x3], $0x1A0, s13, s12, $0x38;
	[tilespmem:$0x3740] =	vst v63  }
0x44: {  	s26 =	rddreg [dreg:$0xc];
	s28 =	sadd.s32 $0x1000, s17  }
0x45: {  	[hbm4b:s28+s12] =	stream.strided.scatter [tilespmem:s26], [sflag:$0x3], $0x1A0, s13, s12, $0x38;
	[tilespmem:$0x3740] =	vst v63  }
0x46: {  	s29 =	rddreg [dreg:$0xd];
	s30 =	sadd.s32 $0x1200, s17  }
0x47: {  	[hbm4b:s30+s12] =	stream.strided.scatter [tilespmem:s29], [sflag:$0x3], $0x1A0, s13, s12, $0x38;
	[tilespmem:$0x3740] =	vst v63  }
0x48: {  	s31 =	rddreg [dreg:$0xe];
	s21 =	sadd.s32 $0x1400, s17  }
0x49: {  	[hbm4b:s21+s12] =	stream.strided.scatter [tilespmem:s31], [sflag:$0x3], $0x1A0, s13, s12, $0x38;
	[tilespmem:$0x3740] =	vst v63  }
0x4a: {  	s22 =	rddreg [dreg:$0xf];
	s23 =	sadd.s32 $0x1600, s17  }
0x4b: {  	[hbm4b:s23+s12] =	stream.strided.scatter [tilespmem:s22], [sflag:$0x3], $0x1A0, s13, s12, $0x38;
	[tilespmem:$0x3740] =	vst v63  }
0x4c: {  	s24 =	rddreg [dreg:$0x10];
	s25 =	sadd.s32 $0x1800, s17  }
0x4d: {  	[hbm4b:s25+s12] =	stream.strided.scatter [tilespmem:s24], [sflag:$0x3], $0x1A0, s13, s12, $0x38;
	[tilespmem:$0x3740] =	vst v63  }
0x4e: {  	s26 =	rddreg [dreg:$0x11];
	s28 =	sadd.s32 $0x1A00, s17  }
0x4f: {  	[hbm4b:s28+s12] =	stream.strided.scatter [tilespmem:s26], [sflag:$0x3], $0x1A0, s13, s12, $0x38;
	[tilespmem:$0x3740] =	vst v63  }
0x50: {  	s29 =	rddreg [dreg:$0x12];
	s30 =	sadd.s32 $0x1C00, s17  }
0x51: {  	[hbm4b:s30+s12] =	stream.strided.scatter [tilespmem:s29], [sflag:$0x3], $0x1A0, s13, s12, $0x38;
	[tilespmem:$0x3740] =	vst v63  }
0x52: {  	s20 =	sadd.s32 $0x1E00, s17;
	s31 =	rddreg [dreg:$0x13]  }
0x53: {  	[hbm4b:s20+s12] =	stream.strided.scatter [tilespmem:s31], [sflag:$0x3], $0x1A0, s13, s12, $0x38;
	[tilespmem:$0x3740] =	vst v63  }
0x54: {  	_ =	swait.ge [sflag:s14], $0x1A00  }
0x55: {  	s21 =	rddreg [dreg:$0x4];
	[sflag:s14] =	ssyncset.done $0x0  }
0x56: {  	s22 =	rddreg [dreg:$0x14];
	[sflag:s14] =	ssyncadd.s32 $0xFFFFE600;
	s18 =	sadd.s32 $0x0, s21  }
0x57: {  	[hbm4b:s18+s12] =	stream.strided.scatter [tilespmem:s10], [sflag:$0x3], $0x1A0, s13, s12, $0x38;
	[tilespmem:$0x3740] =	vst v63  }
0x58: {  	s23 =	sadd.s32 $0x2200, s17;
	s24 =	rddreg [dreg:$0x15]  }
0x59: {  	[hbm4b:s23+s12] =	stream.strided.scatter [tilespmem:s22], [sflag:$0x3], $0x1A0, s13, s12, $0x38;
	[tilespmem:$0x3740] =	vst v63  }
0x5a: {  	s25 =	sadd.s32 $0x2400, s17;
	s26 =	rddreg [dreg:$0x16]  }
0x5b: {  	[hbm4b:s25+s12] =	stream.strided.scatter [tilespmem:s24], [sflag:$0x3], $0x1A0, s13, s12, $0x38;
	[tilespmem:$0x3740] =	vst v63  }
0x5c: {  	s28 =	sadd.s32 $0x2600, s17;
	s29 =	rddreg [dreg:$0x17]  }
0x5d: {  	[hbm4b:s28+s12] =	stream.strided.scatter [tilespmem:s26], [sflag:$0x3], $0x1A0, s13, s12, $0x38;
	[tilespmem:$0x3740] =	vst v63  }
0x5e: {  	s30 =	sadd.s32 $0x2800, s17;
	s31 =	rddreg [dreg:$0x18]  }
0x5f: {  	[hbm4b:s30+s12] =	stream.strided.scatter [tilespmem:s29], [sflag:$0x3], $0x1A0, s13, s12, $0x38;
	[tilespmem:$0x3740] =	vst v63  }
0x60: {  	s21 =	sadd.s32 $0x2A00, s17;
	s22 =	rddreg [dreg:$0x19]  }
0x61: {  	[hbm4b:s21+s12] =	stream.strided.scatter [tilespmem:s31], [sflag:$0x3], $0x1A0, s13, s12, $0x38;
	[tilespmem:$0x3740] =	vst v63  }
0x62: {  	s23 =	sadd.s32 $0x2C00, s17;
	s24 =	rddreg [dreg:$0x1a]  }
0x63: {  	[hbm4b:s23+s12] =	stream.strided.scatter [tilespmem:s22], [sflag:$0x3], $0x1A0, s13, s12, $0x38;
	[tilespmem:$0x3740] =	vst v63  }
0x64: {  	s25 =	sadd.s32 $0x2E00, s17;
	s26 =	rddreg [dreg:$0x1b]  }
0x65: {  	[hbm4b:s25+s12] =	stream.strided.scatter [tilespmem:s24], [sflag:$0x3], $0x1A0, s13, s12, $0x38;
	[tilespmem:$0x3740] =	vst v63  }
0x66: {  	s28 =	sadd.s32 $0x3000, s17;
	s29 =	rddreg [dreg:$0x1c]  }
0x67: {  	[hbm4b:s28+s12] =	stream.strided.scatter [tilespmem:s26], [sflag:$0x3], $0x1A0, s13, s12, $0x38;
	[tilespmem:$0x3740] =	vst v63  }
0x68: {  	s30 =	sadd.s32 $0x3200, s17;
	s31 =	rddreg [dreg:$0x1d]  }
0x69: {  	[hbm4b:s30+s12] =	stream.strided.scatter [tilespmem:s29], [sflag:$0x3], $0x1A0, s13, s12, $0x38;
	[tilespmem:$0x3740] =	vst v63  }
0x6a: {  	s21 =	sadd.s32 $0x3400, s17;
	s22 =	rddreg [dreg:$0x1e]  }
0x6b: {  	[hbm4b:s21+s12] =	stream.strided.scatter [tilespmem:s31], [sflag:$0x3], $0x1A0, s13, s12, $0x38;
	[tilespmem:$0x3740] =	vst v63  }
0x6c: {  	s23 =	sadd.s32 $0x3600, s17;
	s24 =	rddreg [dreg:$0x1f]  }
0x6d: {  	[hbm4b:s23+s12] =	stream.strided.scatter [tilespmem:s22], [sflag:$0x3], $0x1A0, s13, s12, $0x38;
	[tilespmem:$0x3740] =	vst v63  }
0x6e: {  	s25 =	sadd.s32 $0x3800, s17;
	s26 =	sld [smem:$0x7FB]  }
0x6f: {  	[hbm4b:s25+s12] =	stream.strided.scatter [tilespmem:s24], [sflag:$0x3], $0x1A0, s13, s12, $0x38;
	[tilespmem:$0x3740] =	vst v63  }
0x70: {  	s28 =	sadd.s32 $0x3A00, s17;
	s29 =	sld [smem:$0x7FC]  }
0x71: {  	[hbm4b:s28+s12] =	stream.strided.scatter [tilespmem:s26], [sflag:$0x3], $0x1A0, s13, s12, $0x38;
	[tilespmem:$0x3740] =	vst v63  }
0x72: {  	s30 =	sadd.s32 $0x3C00, s17;
	s31 =	sld [smem:$0x7FD]  }
0x73: {  	[hbm4b:s30+s12] =	stream.strided.scatter [tilespmem:s29], [sflag:$0x3], $0x1A0, s13, s12, $0x38;
	[tilespmem:$0x3740] =	vst v63  }
0x74: {  	s17 =	sadd.s32 $0x3E00, s17  }
0x75: {  	[hbm4b:s17+s12] =	stream.strided.scatter [tilespmem:s31], [sflag:$0x3], $0x1A0, s13, s12, $0x38;
	[tilespmem:$0x3740] =	vst v63  }
0x76: {  	_ =	swait.ge [sflag:s15], $0x1A0  }
0x77: {  	[sflag:s15] =	ssyncset.done $0x0  }
0x78: {  	[sflag:s15] =	ssyncadd.s32 $0xFFFFFE60  }
0x79: {  	_ =	swait.ge [sflag:s15], $0x1A0  }
0x7a: {  	[sflag:s15] =	ssyncset.done $0x0  }
0x7b: {  	[sflag:s15] =	ssyncadd.s32 $0xFFFFFE60  }
0x7c: {  	_ =	swait.ge [sflag:s15], $0x1A0  }
0x7d: {  	[sflag:s15] =	ssyncset.done $0x0  }
0x7e: {  	[sflag:s15] =	ssyncadd.s32 $0xFFFFFE60  }
0x7f: {  	_ =	swait.ge [sflag:s15], $0x1A0  }
0x80: {  	[sflag:s15] =	ssyncset.done $0x0  }
0x81: {  	[sflag:s15] =	ssyncadd.s32 $0xFFFFFE60  }
0x82: {  	_ =	swait.ge [sflag:s15], $0x1A0  }
0x83: {  	[sflag:s15] =	ssyncset.done $0x0  }
0x84: {  	[sflag:s15] =	ssyncadd.s32 $0xFFFFFE60  }
0x85: {  	_ =	swait.ge [sflag:s15], $0x1A0  }
0x86: {  	[sflag:s15] =	ssyncset.done $0x0  }
0x87: {  	[sflag:s15] =	ssyncadd.s32 $0xFFFFFE60  }
0x88: {  	_ =	swait.ge [sflag:s15], $0x1A0  }
0x89: {  	[sflag:s15] =	ssyncset.done $0x0  }
0x8a: {  	[sflag:s15] =	ssyncadd.s32 $0xFFFFFE60  }
0x8b: {  	_ =	swait.ge [sflag:s15], $0x1A0  }
0x8c: {  	[sflag:s15] =	ssyncset.done $0x0  }
0x8d: {  	[sflag:s15] =	ssyncadd.s32 $0xFFFFFE60  }
0x8e: {  	_ =	swait.ge [sflag:s15], $0x1A0  }
0x8f: {  	[sflag:s15] =	ssyncset.done $0x0  }
0x90: {  	[sflag:s15] =	ssyncadd.s32 $0xFFFFFE60  }
0x91: {  	_ =	swait.ge [sflag:s15], $0x1A0  }
0x92: {  	[sflag:s15] =	ssyncset.done $0x0  }
0x93: {  	[sflag:s15] =	ssyncadd.s32 $0xFFFFFE60  }
0x94: {  	_ =	swait.ge [sflag:s15], $0x1A0  }
0x95: {  	[sflag:s15] =	ssyncset.done $0x0  }
0x96: {  	[sflag:s15] =	ssyncadd.s32 $0xFFFFFE60  }
0x97: {  	_ =	swait.ge [sflag:s15], $0x1A0  }
0x98: {  	[sflag:s15] =	ssyncset.done $0x0  }
0x99: {  	[sflag:s15] =	ssyncadd.s32 $0xFFFFFE60  }
0x9a: {  	_ =	swait.ge [sflag:s15], $0x1A0  }
0x9b: {  	[sflag:s15] =	ssyncset.done $0x0  }
0x9c: {  	[sflag:s15] =	ssyncadd.s32 $0xFFFFFE60  }
0x9d: {  	_ =	swait.ge [sflag:s15], $0x1A0  }
0x9e: {  	[sflag:s15] =	ssyncset.done $0x0  }
0x9f: {  	[sflag:s15] =	ssyncadd.s32 $0xFFFFFE60  }
0xa0: {  	_ =	swait.ge [sflag:s15], $0x1A0  }
0xa1: {  	[sflag:s15] =	ssyncset.done $0x0  }
0xa2: {  	[sflag:s15] =	ssyncadd.s32 $0xFFFFFE60  }
0xa3: {  	_ =	swait.ge [sflag:s15], $0x1A0  }
0xa4: {  	[sflag:s15] =	ssyncset.done $0x0  }
0xa5: {  	[sflag:s15] =	ssyncadd.s32 $0xFFFFFE60  }
0xa6: {  	_ =	swait.ge [sflag:s15], $0x1A0  }
0xa7: {  	[sflag:s15] =	ssyncset.done $0x0  }
0xa8: {  	[sflag:s15] =	ssyncadd.s32 $0xFFFFFE60  }
0xa9: {  	_ =	swait.ge [sflag:s15], $0x1A0  }
0xaa: {  	[sflag:s15] =	ssyncset.done $0x0  }
0xab: {  	[sflag:s15] =	ssyncadd.s32 $0xFFFFFE60  }
0xac: {  	_ =	swait.ge [sflag:s15], $0x1A0  }
0xad: {  	[sflag:s15] =	ssyncset.done $0x0  }
0xae: {  	[sflag:s15] =	ssyncadd.s32 $0xFFFFFE60  }
0xaf: {  	_ =	swait.ge [sflag:s15], $0x1A0  }
0xb0: {  	[sflag:s15] =	ssyncset.done $0x0  }
0xb1: {  	[sflag:s15] =	ssyncadd.s32 $0xFFFFFE60  }
0xb2: {  	_ =	swait.ge [sflag:s15], $0x1A0  }
0xb3: {  	[sflag:s15] =	ssyncset.done $0x0  }
0xb4: {  	[sflag:s15] =	ssyncadd.s32 $0xFFFFFE60  }
0xb5: {  	_ =	swait.ge [sflag:s15], $0x1A0  }
0xb6: {  	[sflag:s15] =	ssyncset.done $0x0  }
0xb7: {  	[sflag:s15] =	ssyncadd.s32 $0xFFFFFE60  }
0xb8: {  	_ =	swait.ge [sflag:s15], $0x1A0  }
0xb9: {  	[sflag:s15] =	ssyncset.done $0x0  }
0xba: {  	[sflag:s15] =	ssyncadd.s32 $0xFFFFFE60  }
0xbb: {  	_ =	swait.ge [sflag:s15], $0x1A0  }
0xbc: {  	[sflag:s15] =	ssyncset.done $0x0  }
0xbd: {  	[sflag:s15] =	ssyncadd.s32 $0xFFFFFE60  }
0xbe: {  	_ =	swait.ge [sflag:s15], $0x1A0  }
0xbf: {  	[sflag:s15] =	ssyncset.done $0x0  }
0xc0: {  	[sflag:s15] =	ssyncadd.s32 $0xFFFFFE60  }
0xc1: {  	_ =	swait.ge [sflag:s15], $0x1A0  }
0xc2: {  	[sflag:s15] =	ssyncset.done $0x0  }
0xc3: {  	[sflag:s15] =	ssyncadd.s32 $0xFFFFFE60  }
0xc4: {  	_ =	swait.ge [sflag:s15], $0x1A0  }
0xc5: {  	[sflag:s15] =	ssyncset.done $0x0  }
0xc6: {  	[sflag:s15] =	ssyncadd.s32 $0xFFFFFE60  }
0xc7: {  	_ =	swait.ge [sflag:s15], $0x1A0  }
0xc8: {  	[sflag:s15] =	ssyncset.done $0x0  }
0xc9: {  	[sflag:s15] =	ssyncadd.s32 $0xFFFFFE60  }
0xca: {  	_ =	swait.ge [sflag:s15], $0x1A0  }
0xcb: {  	[sflag:s15] =	ssyncset.done $0x0  }
0xcc: {  	[sflag:s15] =	ssyncadd.s32 $0xFFFFFE60  }
0xcd: {  	_ =	swait.ge [sflag:s15], $0x1A0  }
0xce: {  	[sflag:s15] =	ssyncset.done $0x0  }
0xcf: {  	[sflag:s15] =	ssyncadd.s32 $0xFFFFFE60  }
0xd0: {  	_ =	swait.ge [sflag:s15], $0x1A0  }
0xd1: {  	[sflag:s15] =	ssyncset.done $0x0  }
0xd2: {  	[sflag:s15] =	ssyncadd.s32 $0xFFFFFE60  }
0xd3: {  	s19 =	smov.u32 s6;
	_ =	swait.ge [sflag:s15], $0x1A0  }
0xd4: {  	s18 =	smov.u32 s5;
	s17 =	simm.s32 $0x4000;
	[sflag:s15] =	ssyncset.done $0x0  }
.LBB2_2:
0xd5: {  	[sflag:s15] =	ssyncadd.s32 $0xFFFFFE60;
	s19 =	sadd.s32 $0x68, s19  }
0xd6: {  	[tilespmem:s2], [sflag:$0x4] =	stream.linear.gather [hbm4b:s19+s2], $0x1A0, $0x38;
	[tilespmem:$0x3740] =	vst v63  }
0xd7: {  	_ =	swait.ge [sflag:s7], $0x1A0  }
0xd8: {  	[sflag:s7] =	ssyncset.done $0x0  }
0xd9: {  	[sflag:s7] =	ssyncadd.s32 $0xFFFFFE60  }
0xda: {  	[tilespmem:s9], [sflag:$0x1] =	stream.indirect.gather [hbm4b:s3+s8], $0x10, s2, s8, $0xb8;
	[tilespmem:$0x3740] =	vst v63  }
0xdb: {  	s18 =	sadd.s32 $0x68, s18  }
0xdc: {  	[tilespmem:s8], [sflag:$0x4] =	stream.linear.gather [hbm4b:s18+s2], $0x1A0, $0x38;
	[tilespmem:$0x3740] =	vst v63  }
0xdd: {  	_ =	swait.ge [sflag:s7], $0x1A0  }
0xde: {  	[sflag:s7] =	ssyncset.done $0x0  }
0xdf: {  	[sflag:s7] =	ssyncadd.s32 $0xFFFFFE60  }
0xe0: {  	[tilespmem:s10], [sflag:$0x2] =	stream.indirect.gather [hbm4b:s3+s8], $0x10, s8, s8, $0xb8;
	[tilespmem:$0x3740] =	vst v63  }
0xe1: {  	_ =	swait.ge [sflag:s11], $0x1A00  }
0xe2: {  	s21 =	smov.u32 s17;
	s20 =	rddreg [dreg:$0x3];
	[sflag:s11] =	ssyncset.done $0x0  }
0xe3: {  	[sflag:s11] =	ssyncadd.s32 $0xFFFFE600;
	s20 =	sadd.s32 s21, s20  }
0xe4: {  	[hbm4b:s20+s12] =	stream.strided.scatter [tilespmem:s9], [sflag:$0x3], $0x1A0, s13, s12, $0x38;
	[tilespmem:$0x3740] =	vst v63  }
0xe5: {  	s22 =	rddreg [dreg:$0x5];
	s23 =	sadd.s32 $0x200, s20  }
0xe6: {  	[hbm4b:s23+s12] =	stream.strided.scatter [tilespmem:s22], [sflag:$0x3], $0x1A0, s13, s12, $0x38;
	[tilespmem:$0x3740] =	vst v63  }
0xe7: {  	s24 =	rddreg [dreg:$0x6];
	s30 =	sadd.s32 $0x400, s20  }
0xe8: {  	[hbm4b:s30+s12] =	stream.strided.scatter [tilespmem:s24], [sflag:$0x3], $0x1A0, s13, s12, $0x38;
	[tilespmem:$0x3740] =	vst v63  }
0xe9: {  	s31 =	rddreg [dreg:$0x7];
	s25 =	sadd.s32 $0x600, s20  }
0xea: {  	[hbm4b:s25+s12] =	stream.strided.scatter [tilespmem:s31], [sflag:$0x3], $0x1A0, s13, s12, $0x38;
	[tilespmem:$0x3740] =	vst v63  }
0xeb: {  	s26 =	rddreg [dreg:$0x8];
	s28 =	sadd.s32 $0x800, s20  }
0xec: {  	[hbm4b:s28+s12] =	stream.strided.scatter [tilespmem:s26], [sflag:$0x3], $0x1A0, s13, s12, $0x38;
	[tilespmem:$0x3740] =	vst v63  }
0xed: {  	s29 =	rddreg [dreg:$0x9];
	s30 =	sadd.s32 $0xA00, s20  }
0xee: {  	[hbm4b:s30+s12] =	stream.strided.scatter [tilespmem:s29], [sflag:$0x3], $0x1A0, s13, s12, $0x38;
	[tilespmem:$0x3740] =	vst v63  }
0xef: {  	s31 =	rddreg [dreg:$0xa];
	s25 =	sadd.s32 $0xC00, s20  }
0xf0: {  	[hbm4b:s25+s12] =	stream.strided.scatter [tilespmem:s31], [sflag:$0x3], $0x1A0, s13, s12, $0x38;
	[tilespmem:$0x3740] =	vst v63  }
0xf1: {  	s26 =	rddreg [dreg:$0xb];
	s28 =	sadd.s32 $0xE00, s20  }
0xf2: {  	[hbm4b:s28+s12] =	stream.strided.scatter [tilespmem:s26], [sflag:$0x3], $0x1A0, s13, s12, $0x38;
	[tilespmem:$0x3740] =	vst v63  }
0xf3: {  	s29 =	rddreg [dreg:$0xc];
	s30 =	sadd.s32 $0x1000, s20  }
0xf4: {  	[hbm4b:s30+s12] =	stream.strided.scatter [tilespmem:s29], [sflag:$0x3], $0x1A0, s13, s12, $0x38;
	[tilespmem:$0x3740] =	vst v63  }
0xf5: {  	s31 =	rddreg [dreg:$0xd];
	s25 =	sadd.s32 $0x1200, s20  }
0xf6: {  	[hbm4b:s25+s12] =	stream.strided.scatter [tilespmem:s31], [sflag:$0x3], $0x1A0, s13, s12, $0x38;
	[tilespmem:$0x3740] =	vst v63  }
0xf7: {  	s26 =	rddreg [dreg:$0xe];
	s28 =	sadd.s32 $0x1400, s20  }
0xf8: {  	[hbm4b:s28+s12] =	stream.strided.scatter [tilespmem:s26], [sflag:$0x3], $0x1A0, s13, s12, $0x38;
	[tilespmem:$0x3740] =	vst v63  }
0xf9: {  	s29 =	rddreg [dreg:$0xf];
	s30 =	sadd.s32 $0x1600, s20  }
0xfa: {  	[hbm4b:s30+s12] =	stream.strided.scatter [tilespmem:s29], [sflag:$0x3], $0x1A0, s13, s12, $0x38;
	[tilespmem:$0x3740] =	vst v63  }
0xfb: {  	s31 =	rddreg [dreg:$0x10];
	s25 =	sadd.s32 $0x1800, s20  }
0xfc: {  	[hbm4b:s25+s12] =	stream.strided.scatter [tilespmem:s31], [sflag:$0x3], $0x1A0, s13, s12, $0x38;
	[tilespmem:$0x3740] =	vst v63  }
0xfd: {  	s26 =	rddreg [dreg:$0x11];
	s28 =	sadd.s32 $0x1A00, s20  }
0xfe: {  	[hbm4b:s28+s12] =	stream.strided.scatter [tilespmem:s26], [sflag:$0x3], $0x1A0, s13, s12, $0x38;
	[tilespmem:$0x3740] =	vst v63  }
0xff: {  	s29 =	rddreg [dreg:$0x12];
	s30 =	sadd.s32 $0x1C00, s20  }
0x100: {  	[hbm4b:s30+s12] =	stream.strided.scatter [tilespmem:s29], [sflag:$0x3], $0x1A0, s13, s12, $0x38;
	[tilespmem:$0x3740] =	vst v63  }
0x101: {  	s24 =	sadd.s32 $0x1E00, s20;
	s31 =	rddreg [dreg:$0x13]  }
0x102: {  	[hbm4b:s24+s12] =	stream.strided.scatter [tilespmem:s31], [sflag:$0x3], $0x1A0, s13, s12, $0x38;
	[tilespmem:$0x3740] =	vst v63  }
0x103: {  	_ =	swait.ge [sflag:s14], $0x1A00  }
0x104: {  	s25 =	rddreg [dreg:$0x4];
	[sflag:s14] =	ssyncset.done $0x0  }
0x105: {  	s26 =	rddreg [dreg:$0x14];
	[sflag:s14] =	ssyncadd.s32 $0xFFFFE600;
	s21 =	sadd.s32 s21, s25  }
0x106: {  	[hbm4b:s21+s12] =	stream.strided.scatter [tilespmem:s10], [sflag:$0x3], $0x1A0, s13, s12, $0x38;
	[tilespmem:$0x3740] =	vst v63  }
0x107: {  	s28 =	sadd.s32 $0x2200, s20;
	s29 =	rddreg [dreg:$0x15]  }
0x108: {  	[hbm4b:s28+s12] =	stream.strided.scatter [tilespmem:s26], [sflag:$0x3], $0x1A0, s13, s12, $0x38;
	[tilespmem:$0x3740] =	vst v63  }
0x109: {  	s30 =	sadd.s32 $0x2400, s20;
	s31 =	rddreg [dreg:$0x16]  }
0x10a: {  	[hbm4b:s30+s12] =	stream.strided.scatter [tilespmem:s29], [sflag:$0x3], $0x1A0, s13, s12, $0x38;
	[tilespmem:$0x3740] =	vst v63  }
0x10b: {  	s23 =	sadd.s32 $0x2600, s20;
	s24 =	rddreg [dreg:$0x17]  }
0x10c: {  	[hbm4b:s23+s12] =	stream.strided.scatter [tilespmem:s31], [sflag:$0x3], $0x1A0, s13, s12, $0x38;
	[tilespmem:$0x3740] =	vst v63  }
0x10d: {  	s25 =	sadd.s32 $0x2800, s20;
	s26 =	rddreg [dreg:$0x18]  }
0x10e: {  	[hbm4b:s25+s12] =	stream.strided.scatter [tilespmem:s24], [sflag:$0x3], $0x1A0, s13, s12, $0x38;
	[tilespmem:$0x3740] =	vst v63  }
0x10f: {  	s28 =	sadd.s32 $0x2A00, s20;
	s29 =	rddreg [dreg:$0x19]  }
0x110: {  	[hbm4b:s28+s12] =	stream.strided.scatter [tilespmem:s26], [sflag:$0x3], $0x1A0, s13, s12, $0x38;
	[tilespmem:$0x3740] =	vst v63  }
0x111: {  	s30 =	sadd.s32 $0x2C00, s20;
	s31 =	rddreg [dreg:$0x1a]  }
0x112: {  	[hbm4b:s30+s12] =	stream.strided.scatter [tilespmem:s29], [sflag:$0x3], $0x1A0, s13, s12, $0x38;
	[tilespmem:$0x3740] =	vst v63  }
0x113: {  	s23 =	sadd.s32 $0x2E00, s20;
	s24 =	rddreg [dreg:$0x1b]  }
0x114: {  	[hbm4b:s23+s12] =	stream.strided.scatter [tilespmem:s31], [sflag:$0x3], $0x1A0, s13, s12, $0x38;
	[tilespmem:$0x3740] =	vst v63  }
0x115: {  	s25 =	sadd.s32 $0x3000, s20;
	s26 =	rddreg [dreg:$0x1c]  }
0x116: {  	[hbm4b:s25+s12] =	stream.strided.scatter [tilespmem:s24], [sflag:$0x3], $0x1A0, s13, s12, $0x38;
	[tilespmem:$0x3740] =	vst v63  }
0x117: {  	s28 =	sadd.s32 $0x3200, s20;
	s29 =	rddreg [dreg:$0x1d]  }
0x118: {  	[hbm4b:s28+s12] =	stream.strided.scatter [tilespmem:s26], [sflag:$0x3], $0x1A0, s13, s12, $0x38;
	[tilespmem:$0x3740] =	vst v63  }
0x119: {  	s30 =	sadd.s32 $0x3400, s20;
	s31 =	rddreg [dreg:$0x1e]  }
0x11a: {  	[hbm4b:s30+s12] =	stream.strided.scatter [tilespmem:s29], [sflag:$0x3], $0x1A0, s13, s12, $0x38;
	[tilespmem:$0x3740] =	vst v63  }
0x11b: {  	s23 =	sadd.s32 $0x3600, s20;
	s24 =	rddreg [dreg:$0x1f]  }
0x11c: {  	[hbm4b:s23+s12] =	stream.strided.scatter [tilespmem:s31], [sflag:$0x3], $0x1A0, s13, s12, $0x38;
	[tilespmem:$0x3740] =	vst v63  }
0x11d: {  	s25 =	sadd.s32 $0x3800, s20;
	s26 =	sld [smem:$0x7FB]  }
0x11e: {  	[hbm4b:s25+s12] =	stream.strided.scatter [tilespmem:s24], [sflag:$0x3], $0x1A0, s13, s12, $0x38;
	[tilespmem:$0x3740] =	vst v63  }
0x11f: {  	s28 =	sadd.s32 $0x3A00, s20;
	s29 =	sld [smem:$0x7FC]  }
0x120: {  	[hbm4b:s28+s12] =	stream.strided.scatter [tilespmem:s26], [sflag:$0x3], $0x1A0, s13, s12, $0x38;
	[tilespmem:$0x3740] =	vst v63  }
0x121: {  	s30 =	sadd.s32 $0x3C00, s20;
	s31 =	sld [smem:$0x7FD]  }
0x122: {  	[hbm4b:s30+s12] =	stream.strided.scatter [tilespmem:s29], [sflag:$0x3], $0x1A0, s13, s12, $0x38;
	[tilespmem:$0x3740] =	vst v63  }
0x123: {  	s20 =	sadd.s32 $0x3E00, s20  }
0x124: {  	[hbm4b:s20+s12] =	stream.strided.scatter [tilespmem:s31], [sflag:$0x3], $0x1A0, s13, s12, $0x38;
	[tilespmem:$0x3740] =	vst v63  }
0x125: {  	_ =	swait.ge [sflag:s15], $0x1A0  }
0x126: {  	[sflag:s15] =	ssyncset.done $0x0  }
0x127: {  	[sflag:s15] =	ssyncadd.s32 $0xFFFFFE60  }
0x128: {  	_ =	swait.ge [sflag:s15], $0x1A0  }
0x129: {  	[sflag:s15] =	ssyncset.done $0x0  }
0x12a: {  	[sflag:s15] =	ssyncadd.s32 $0xFFFFFE60  }
0x12b: {  	_ =	swait.ge [sflag:s15], $0x1A0  }
0x12c: {  	[sflag:s15] =	ssyncset.done $0x0  }
0x12d: {  	[sflag:s15] =	ssyncadd.s32 $0xFFFFFE60  }
0x12e: {  	_ =	swait.ge [sflag:s15], $0x1A0  }
0x12f: {  	[sflag:s15] =	ssyncset.done $0x0  }
0x130: {  	[sflag:s15] =	ssyncadd.s32 $0xFFFFFE60  }
0x131: {  	_ =	swait.ge [sflag:s15], $0x1A0  }
0x132: {  	[sflag:s15] =	ssyncset.done $0x0  }
0x133: {  	[sflag:s15] =	ssyncadd.s32 $0xFFFFFE60  }
0x134: {  	_ =	swait.ge [sflag:s15], $0x1A0  }
0x135: {  	[sflag:s15] =	ssyncset.done $0x0  }
0x136: {  	[sflag:s15] =	ssyncadd.s32 $0xFFFFFE60  }
0x137: {  	_ =	swait.ge [sflag:s15], $0x1A0  }
0x138: {  	[sflag:s15] =	ssyncset.done $0x0  }
0x139: {  	[sflag:s15] =	ssyncadd.s32 $0xFFFFFE60  }
0x13a: {  	_ =	swait.ge [sflag:s15], $0x1A0  }
0x13b: {  	[sflag:s15] =	ssyncset.done $0x0  }
0x13c: {  	[sflag:s15] =	ssyncadd.s32 $0xFFFFFE60  }
0x13d: {  	_ =	swait.ge [sflag:s15], $0x1A0  }
0x13e: {  	[sflag:s15] =	ssyncset.done $0x0  }
0x13f: {  	[sflag:s15] =	ssyncadd.s32 $0xFFFFFE60  }
0x140: {  	_ =	swait.ge [sflag:s15], $0x1A0  }
0x141: {  	[sflag:s15] =	ssyncset.done $0x0  }
0x142: {  	[sflag:s15] =	ssyncadd.s32 $0xFFFFFE60  }
0x143: {  	_ =	swait.ge [sflag:s15], $0x1A0  }
0x144: {  	[sflag:s15] =	ssyncset.done $0x0  }
0x145: {  	[sflag:s15] =	ssyncadd.s32 $0xFFFFFE60  }
0x146: {  	_ =	swait.ge [sflag:s15], $0x1A0  }
0x147: {  	[sflag:s15] =	ssyncset.done $0x0  }
0x148: {  	[sflag:s15] =	ssyncadd.s32 $0xFFFFFE60  }
0x149: {  	_ =	swait.ge [sflag:s15], $0x1A0  }
0x14a: {  	[sflag:s15] =	ssyncset.done $0x0  }
0x14b: {  	[sflag:s15] =	ssyncadd.s32 $0xFFFFFE60  }
0x14c: {  	_ =	swait.ge [sflag:s15], $0x1A0  }
0x14d: {  	[sflag:s15] =	ssyncset.done $0x0  }
0x14e: {  	[sflag:s15] =	ssyncadd.s32 $0xFFFFFE60  }
0x14f: {  	_ =	swait.ge [sflag:s15], $0x1A0  }
0x150: {  	[sflag:s15] =	ssyncset.done $0x0  }
0x151: {  	[sflag:s15] =	ssyncadd.s32 $0xFFFFFE60  }
0x152: {  	_ =	swait.ge [sflag:s15], $0x1A0  }
0x153: {  	[sflag:s15] =	ssyncset.done $0x0  }
0x154: {  	[sflag:s15] =	ssyncadd.s32 $0xFFFFFE60  }
0x155: {  	_ =	swait.ge [sflag:s15], $0x1A0  }
0x156: {  	[sflag:s15] =	ssyncset.done $0x0  }
0x157: {  	[sflag:s15] =	ssyncadd.s32 $0xFFFFFE60  }
0x158: {  	_ =	swait.ge [sflag:s15], $0x1A0  }
0x159: {  	[sflag:s15] =	ssyncset.done $0x0  }
0x15a: {  	[sflag:s15] =	ssyncadd.s32 $0xFFFFFE60  }
0x15b: {  	_ =	swait.ge [sflag:s15], $0x1A0  }
0x15c: {  	[sflag:s15] =	ssyncset.done $0x0  }
0x15d: {  	[sflag:s15] =	ssyncadd.s32 $0xFFFFFE60  }
0x15e: {  	_ =	swait.ge [sflag:s15], $0x1A0  }
0x15f: {  	[sflag:s15] =	ssyncset.done $0x0  }
0x160: {  	[sflag:s15] =	ssyncadd.s32 $0xFFFFFE60  }
0x161: {  	_ =	swait.ge [sflag:s15], $0x1A0  }
0x162: {  	[sflag:s15] =	ssyncset.done $0x0  }
0x163: {  	[sflag:s15] =	ssyncadd.s32 $0xFFFFFE60  }
0x164: {  	_ =	swait.ge [sflag:s15], $0x1A0  }
0x165: {  	[sflag:s15] =	ssyncset.done $0x0  }
0x166: {  	[sflag:s15] =	ssyncadd.s32 $0xFFFFFE60  }
0x167: {  	_ =	swait.ge [sflag:s15], $0x1A0  }
0x168: {  	[sflag:s15] =	ssyncset.done $0x0  }
0x169: {  	[sflag:s15] =	ssyncadd.s32 $0xFFFFFE60  }
0x16a: {  	_ =	swait.ge [sflag:s15], $0x1A0  }
0x16b: {  	[sflag:s15] =	ssyncset.done $0x0  }
0x16c: {  	[sflag:s15] =	ssyncadd.s32 $0xFFFFFE60  }
0x16d: {  	_ =	swait.ge [sflag:s15], $0x1A0  }
0x16e: {  	[sflag:s15] =	ssyncset.done $0x0  }
0x16f: {  	[sflag:s15] =	ssyncadd.s32 $0xFFFFFE60  }
0x170: {  	_ =	swait.ge [sflag:s15], $0x1A0  }
0x171: {  	[sflag:s15] =	ssyncset.done $0x0  }
0x172: {  	[sflag:s15] =	ssyncadd.s32 $0xFFFFFE60  }
0x173: {  	_ =	swait.ge [sflag:s15], $0x1A0  }
0x174: {  	[sflag:s15] =	ssyncset.done $0x0  }
0x175: {  	[sflag:s15] =	ssyncadd.s32 $0xFFFFFE60  }
0x176: {  	_ =	swait.ge [sflag:s15], $0x1A0  }
0x177: {  	[sflag:s15] =	ssyncset.done $0x0  }
0x178: {  	[sflag:s15] =	ssyncadd.s32 $0xFFFFFE60  }
0x179: {  	_ =	swait.ge [sflag:s15], $0x1A0  }
0x17a: {  	[sflag:s15] =	ssyncset.done $0x0  }
0x17b: {  	[sflag:s15] =	ssyncadd.s32 $0xFFFFFE60  }
0x17c: {  	_ =	swait.ge [sflag:s15], $0x1A0  }
0x17d: {  	[sflag:s15] =	ssyncset.done $0x0  }
0x17e: {  	p0 =	sne.s32 s17, $0x3C000;
	[sflag:s15] =	ssyncadd.s32 $0xFFFFFE60  }
.Ltmp0:
0x17f: {  	_ =	swait.ge [sflag:s15], $0x1A0;
	(pc) =	sbr.rel @p0 .LBB2_2-.Ltmp0, $4  }
0x180: {  	[sflag:s15] =	ssyncset.done $0x0  }
0x181: {  	[sflag:s15] =	ssyncadd.s32 $0xFFFFFE60  }
0x182: {  	_ =	swait.ge [sflag:s15], $0x1A0  }
0x183: {  	s17 =	sadd.s32 $0x4000, s17;
	[sflag:s15] =	ssyncset.done $0x0  }
0x184: {  	s16 =	sadd.s32 $0x1, s16  }
0x185: {  	p0 =	sne.s32 s16, s4  }
.Ltmp1:
0x186: {  	_ = 	snop;
	(pc) =	sbr.rel @p0 .LBB2_1-.Ltmp1, $2  }
0x187: {  	_ =	sdelay $0x2  }
0x188: {  	[sflag:s15] =	ssyncadd.s32 $0xFFFFFE60  }
0x189: {  	_ =	sfence.sel $0x180000  }
0x18a: {  	[bflag:$0x0] =	sbarrier.arrive $0xFFFF  }
0x18b: {  	p0 =	sne.s32 s1, $0x0;
	_ =	strace $0x90000047  }
0x18c: {  	s0 =	sadd.s32 @!p0 $0x100000, s0;
	[bflag:$0x2] =	sbarrier.arrive $0xFFFF  }
0x18d: {  	[sflag:s0] =	ssyncadd.tile.s32 @!p0 $0x1;
	_ =	shalt  }
.Lfunc_end2:
_tile_overlayer_lowered:
.L_overlay_start_2:
0x18e: {  	(tag) =	ssettag $0x2  }
0x18f: {  	s0 =	rddreg [dreg:$0x0];
	s2 =	stileid.u32  }
0x190: {  	s1 =	rddreg [dreg:$0x1];
	p0 =	sne.s32 s2, $0x0  }
0x191: {  	s3 =	rddreg [dreg:$0x2];
	[bflag:$0x3] =	sbarrier.arrive $0xFFFF;
	s2 =	simm.s32 @!p0 $0x1C04  }
0x192: {  	[timem:s3], [sflag:s2] =	dma.local @!p0 [hbm:s0], s1  }
0x193: {  	s0 =	simm.s32 @!p0 $0x4  }
0x194: {  	_ =	swait.ge @!p0 [sflag:s0], s1  }
0x195: {  	s1 =	ssub.s32 @!p0 $0x0, s1;
	[sflag:s0] =	ssyncset.done @!p0 $0x0  }
0x196: {  	[sflag:s0] =	ssyncadd.s32 @!p0 s1  }
0x197: {  	[bflag:$0x3] =	sbarrier.arrive $0xFFFF  }
0x198: {  	_ =	shalt  }

</sc_bundles>
